<compile_context>
chip_gen: v7x
topology: tpu7x:2x2x1
jax: 0.10.2.dev20260603
libtpu: 0.0.44.dev20260713+nightly
codegen_flags: <defaults>
</compile_context>

<pallas_src>
import functools

import jax
import jax.numpy as jnp
from jax import lax
from jax.experimental import pallas as pl
from jax.experimental.pallas import tpu as pltpu
from jax.experimental.pallas import tpu_sc as plsc

_NC = 2
_NS = 16
_NW = _NC * _NS
_L = 16

_V = 24
_NB = 16384
_S = 200
_SB = 8
_S_SC = 8
_S_TC = _S - _S_SC
assert _S_TC % _SB == 0
_BW = _NB // _NW


def _sc_partials(yt2d, pt2d, b_flat):
    mesh = plsc.VectorSubcoreMesh(core_axis_name="c", subcore_axis_name="s")

    @functools.partial(
        pl.kernel,
        out_type=jax.ShapeDtypeStruct((_NW, _L), jnp.float32),
        mesh=mesh,
        scratch_types=[
            pltpu.VMEM((_S_SC, _BW), jnp.int32),
            pltpu.VMEM((_V, _BW), jnp.float32),
            pltpu.VMEM((_V, _BW), jnp.float32),
            pltpu.VMEM((_V * _V,), jnp.float32),
            pltpu.VMEM((_V * _V,), jnp.float32),
            pltpu.VMEM((_L,), jnp.float32),
            pltpu.SemaphoreType.DMA,
            pltpu.SemaphoreType.DMA,
            pltpu.SemaphoreType.DMA,
        ],
        compiler_params=pltpu.CompilerParams(needs_layout_passes=False),
    )
    def sc_fn(y_hbm, p_hbm, b_hbm, out_hbm, y_buf, p_buf0, p_buf1,
              b_vmem, s_vmem, acc_vmem, sem_y, sem_p0, sem_p1):
        wid = lax.axis_index("s") * _NC + lax.axis_index("c")
        b0 = wid * _BW
        p_bufs = (p_buf0, p_buf1)
        sems_p = (sem_p0, sem_p1)

        yc = pltpu.make_async_copy(
            y_hbm.at[pl.ds(_S_TC, _S_SC), pl.ds(b0, _BW)], y_buf, sem_y)
        yc.start()

        def _pcopy(si, buf):
            return pltpu.make_async_copy(
                p_hbm.at[pl.ds((_S_TC + si) * _V, _V), pl.ds(b0, _BW)],
                p_bufs[buf], sems_p[buf])

        _pcopy(0, 0).start()
        _pcopy(1, 1).start()

        pltpu.sync_copy(b_hbm, b_vmem)

        zero = jnp.zeros((_L,), jnp.float32)
        for v in range(_V * _V // _L):
            s_vmem[pl.ds(v * _L, _L)] = zero

        yc.wait()

        def _compute(si, buf):
            _pcopy(si, buf).wait()
            pb = p_bufs[buf]

            @plsc.parallel_loop(0, _BW // _L, 1)
            def group_body(g):
                y_v = y_buf[si, pl.ds(g * _L, _L)]
                rowoff = y_v * _V
                for k in range(_V):
                    pvec = pb[k, pl.ds(g * _L, _L)]
                    plsc.addupdate_scatter(s_vmem, [rowoff + k], pvec)

        def s_pair(i, carry):
            c0 = 2 * i
            _compute(c0, 0)

            @pl.when(c0 + 2 < _S_SC)
            def _():
                _pcopy(c0 + 2, 0).start()

            _compute(c0 + 1, 1)

            @pl.when(c0 + 3 < _S_SC)
            def _():
                _pcopy(c0 + 3, 1).start()

            return carry

        lax.fori_loop(0, _S_SC // 2, s_pair, jnp.int32(0))

        acc0 = zero
        acc1 = zero
        for v in range(_V * _V // _L):
            sv = s_vmem[pl.ds(v * _L, _L)]
            bv = b_vmem[pl.ds(v * _L, _L)]
            if v % 2 == 0:
                acc0 = acc0 + sv * bv
            else:
                acc1 = acc1 + sv * bv
        acc_vmem[...] = acc0 + acc1
        pltpu.sync_copy(acc_vmem, out_hbm.at[wid])

    return sc_fn(yt2d, pt2d, b_flat)


def _tc_sum(yt, pt, B):
    grid = _S_TC // _SB

    def body(y_ref, p_ref, b_ref, out_ref):
        i = pl.program_id(0)
        part = jnp.float32(0.0)
        cls = lax.broadcasted_iota(jnp.int32, (_V, _NB), 0)
        for s in range(_SB):
            ys = y_ref[pl.ds(s, 1), :]
            g = (ys == cls).astype(jnp.float32)
            w = lax.dot_general(
                b_ref[...], g, (((0,), (0,)), ((), ())),
                preferred_element_type=jnp.float32)
            part += jnp.sum(w * p_ref[s])

        @pl.when(i == 0)
        def _():
            out_ref[0, 0] = part

        @pl.when(i > 0)
        def _():
            out_ref[0, 0] += part

    return pl.pallas_call(
        body,
        grid=(grid,),
        in_specs=[
            pl.BlockSpec((_SB, _NB), lambda i: (i, 0)),
            pl.BlockSpec((_SB, _V, _NB), lambda i: (i, 0, 0)),
            pl.BlockSpec((_V, _V), lambda i: (0, 0)),
        ],
        out_specs=pl.BlockSpec(memory_space=pltpu.SMEM),
        out_shape=jax.ShapeDtypeStruct((1, 1), jnp.float32),
        compiler_params=pltpu.CompilerParams(
            dimension_semantics=("arbitrary",)),
    )(yt, pt, B)


def kernel(y_true, y_pred, B):
    yt = y_true.T
    pt = jnp.transpose(y_pred, (1, 2, 0))
    sc_partials = _sc_partials(
        yt, pt.reshape(_S * _V, _NB), B.reshape(-1))
    tc_part = _tc_sum(yt, pt, B)
    return tc_part[0, 0] + jnp.sum(sc_partials)

# --- scband reference (transcript-rebuilt; emitter-appended) ---
"""Pipeline reference for scband-score-blosum-26001732009996 (READ-ONLY COPY).

The authoritative reference and input builder live on the scoring server;
editing this copy changes nothing except your own understanding.
"""

import jax, jax.numpy as jnp
import numpy as np

B_VOCAB = 24  # BLOSUM62 alphabet size (amino acids)
BATCH = 16384
SEQ = 200


def setup_inputs(seed: int = 0) -> dict:
    key = jax.random.key(seed)
    k1, k2, k3 = jax.random.split(key, 3)
    y_true = jax.random.randint(k1, (BATCH, SEQ), 0, B_VOCAB, dtype=jnp.int64 if jax.config.jax_enable_x64 else jnp.int32).astype(jnp.int32)
    y_pred = jax.random.uniform(k2, (BATCH, SEQ, B_VOCAB), dtype=jnp.float32)
    # Stand-in for the BLOSUM62 substitution matrix; module stores transpose(B).
    # We materialize the already-transposed matrix directly as a learned-style constant.
    B = jax.random.normal(k3, (B_VOCAB, B_VOCAB), dtype=jnp.float32)
    return {"y_true": y_true, "y_pred": y_pred, "B": B}


def reference(y_true, y_pred, B):
    # B corresponds to self.B (the transposed BLOSUM matrix).
    rows = jnp.take(B, y_true.reshape(-1), axis=0)           # gather: [N, 24]
    return jnp.sum(rows * y_pred.reshape(-1, y_pred.shape[-1]))

if __name__ == "__main__":
    import jax
    _d = setup_inputs()
    print(jax.jit(kernel)(*tuple(_d.values())))

</pallas_src>

<mosaic_0001>
#map = affine_map<(d0, d1) -> (0, 0)>
#map1 = affine_map<(d0, d1) -> (0)>
module attributes {stable_mosaic.version = 14 : i64} {
  func.func @sc_fn(%arg0: i32, %arg1: i32, %arg2: memref<200x16384xi32, #tpu.memory_space<hbm>>, %arg3: memref<4800x16384xf32, #tpu.memory_space<hbm>>, %arg4: memref<576xf32, #tpu.memory_space<hbm>>, %arg5: memref<32x16xf32, #tpu.memory_space<hbm>>, %arg6: memref<8x512xi32, #tpu.memory_space<vmem>>, %arg7: memref<24x512xf32, #tpu.memory_space<vmem>>, %arg8: memref<24x512xf32, #tpu.memory_space<vmem>>, %arg9: memref<576xf32, #tpu.memory_space<vmem>>, %arg10: memref<576xf32, #tpu.memory_space<vmem>>, %arg11: memref<16xf32, #tpu.memory_space<vmem>>, %arg12: memref<!tpu.dma_semaphore, #tpu.memory_space<semaphore_mem>>, %arg13: memref<!tpu.dma_semaphore, #tpu.memory_space<semaphore_mem>>, %arg14: memref<!tpu.dma_semaphore, #tpu.memory_space<semaphore_mem>>) attributes {dimension_semantics = [#tpu.dimension_semantics<core_parallel>, #tpu.dimension_semantics<subcore_parallel>], iteration_bounds = array<i64: 2, 16>, scalar_prefetch = 0 : i64, scratch_operands = 9 : i64, tpu.core_type = #tpu.core_type<sc_vector_subcore>, window_params = [{transform_indices = #map}, {transform_indices = #map}, {transform_indices = #map1}, {transform_indices = #map}]} {
    %mul3A = arith.constant 2 : i32
    %mul3A_0 = arith.muli %arg1, %mul3A : i32
    %add3A = arith.addi %mul3A_0, %arg0 : i32
    %mul3A_1 = arith.constant 512 : i32
    %mul3A_2 = arith.muli %add3A, %mul3A_1 : i32
    %dma_start3A = arith.constant 192 : i32
    %dma_start3A_3 = tpu.memref_slice %arg2[%dma_start3A, %mul3A_2] : memref<200x16384xi32, #tpu.memory_space<hbm>> -> memref<8x512xi32, #tpu.memory_space<hbm>>
    %dma_start3A_4 = arith.constant 192 : i32
    %dma_start3A_5 = tpu.memref_slice %arg2[%dma_start3A_4, %mul3A_2] : memref<200x16384xi32, #tpu.memory_space<hbm>> -> memref<8x512xi32, #tpu.memory_space<hbm>>
    tpu.enqueue_dma source(%dma_start3A_5 : memref<8x512xi32, #tpu.memory_space<hbm>>) target(%arg6 : memref<8x512xi32, #tpu.memory_space<vmem>>) target_semaphore(%arg12 : memref<!tpu.dma_semaphore, #tpu.memory_space<semaphore_mem>>)
    %dma_start3A_6 = arith.constant 4608 : i32
    %dma_start3A_7 = tpu.memref_slice %arg3[%dma_start3A_6, %mul3A_2] : memref<4800x16384xf32, #tpu.memory_space<hbm>> -> memref<24x512xf32, #tpu.memory_space<hbm>>
    %dma_start3A_8 = arith.constant 4608 : i32
    %dma_start3A_9 = tpu.memref_slice %arg3[%dma_start3A_8, %mul3A_2] : memref<4800x16384xf32, #tpu.memory_space<hbm>> -> memref<24x512xf32, #tpu.memory_space<hbm>>
    tpu.enqueue_dma source(%dma_start3A_9 : memref<24x512xf32, #tpu.memory_space<hbm>>) target(%arg7 : memref<24x512xf32, #tpu.memory_space<vmem>>) target_semaphore(%arg13 : memref<!tpu.dma_semaphore, #tpu.memory_space<semaphore_mem>>)
    %dma_start3A_10 = arith.constant 4632 : i32
    %dma_start3A_11 = tpu.memref_slice %arg3[%dma_start3A_10, %mul3A_2] : memref<4800x16384xf32, #tpu.memory_space<hbm>> -> memref<24x512xf32, #tpu.memory_space<hbm>>
    %dma_start3A_12 = arith.constant 4632 : i32
    %dma_start3A_13 = tpu.memref_slice %arg3[%dma_start3A_12, %mul3A_2] : memref<4800x16384xf32, #tpu.memory_space<hbm>> -> memref<24x512xf32, #tpu.memory_space<hbm>>
    tpu.enqueue_dma source(%dma_start3A_13 : memref<24x512xf32, #tpu.memory_space<hbm>>) target(%arg8 : memref<24x512xf32, #tpu.memory_space<vmem>>) target_semaphore(%arg14 : memref<!tpu.dma_semaphore, #tpu.memory_space<semaphore_mem>>)
    "tpu.region"() ({
      %run_scoped3A = tpu.sem_alloc : memref<!tpu.dma_semaphore, #tpu.memory_space<semaphore_mem>>
      tpu.enqueue_dma source(%arg4 : memref<576xf32, #tpu.memory_space<hbm>>) target(%arg9 : memref<576xf32, #tpu.memory_space<vmem>>) target_semaphore(%run_scoped3A : memref<!tpu.dma_semaphore, #tpu.memory_space<semaphore_mem>>)
      tpu.wait_dma2 semaphore(%run_scoped3A : memref<!tpu.dma_semaphore, #tpu.memory_space<semaphore_mem>>) src(%arg4 : memref<576xf32, #tpu.memory_space<hbm>>) dst(%arg9 : memref<576xf32, #tpu.memory_space<vmem>>)
      tpu.yield
    }) : () -> ()
    %broadcast_in_dim3A = arith.constant 0.000000e+00 : f32
    %broadcast_in_dim3A_14 = vector.broadcast %broadcast_in_dim3A : f32 to vector<16xf32>
    %swap3A = arith.constant 0 : index
    %swap3A_15 = tpu.vector_load %arg10[%swap3A] {strides = array<i32>} : memref<576xf32, #tpu.memory_space<vmem>>, vector<16xf32>,
    tpu.vector_store %arg10[%swap3A], %broadcast_in_dim3A_14 {strides = array<i32>} : memref<576xf32, #tpu.memory_space<vmem>>, vector<16xf32>,
    %swap3A_16 = arith.constant 16 : index
    %swap3A_17 = tpu.vector_load %arg10[%swap3A_16] {strides = array<i32>} : memref<576xf32, #tpu.memory_space<vmem>>, vector<16xf32>,
    tpu.vector_store %arg10[%swap3A_16], %broadcast_in_dim3A_14 {strides = array<i32>} : memref<576xf32, #tpu.memory_space<vmem>>, vector<16xf32>,
    %swap3A_18 = arith.constant 32 : index
    %swap3A_19 = tpu.vector_load %arg10[%swap3A_18] {strides = array<i32>} : memref<576xf32, #tpu.memory_space<vmem>>, vector<16xf32>,
    tpu.vector_store %arg10[%swap3A_18], %broadcast_in_dim3A_14 {strides = array<i32>} : memref<576xf32, #tpu.memory_space<vmem>>, vector<16xf32>,
    %swap3A_20 = arith.constant 48 : index
    %swap3A_21 = tpu.vector_load %arg10[%swap3A_20] {strides = array<i32>} : memref<576xf32, #tpu.memory_space<vmem>>, vector<16xf32>,
    tpu.vector_store %arg10[%swap3A_20], %broadcast_in_dim3A_14 {strides = array<i32>} : memref<576xf32, #tpu.memory_space<vmem>>, vector<16xf32>,
    %swap3A_22 = arith.constant 64 : index
    %swap3A_23 = tpu.vector_load %arg10[%swap3A_22] {strides = array<i32>} : memref<576xf32, #tpu.memory_space<vmem>>, vector<16xf32>,
    tpu.vector_store %arg10[%swap3A_22], %broadcast_in_dim3A_14 {strides = array<i32>} : memref<576xf32, #tpu.memory_space<vmem>>, vector<16xf32>,
    %swap3A_24 = arith.constant 80 : index
    %swap3A_25 = tpu.vector_load %arg10[%swap3A_24] {strides = array<i32>} : memref<576xf32, #tpu.memory_space<vmem>>, vector<16xf32>,
    tpu.vector_store %arg10[%swap3A_24], %broadcast_in_dim3A_14 {strides = array<i32>} : memref<576xf32, #tpu.memory_space<vmem>>, vector<16xf32>,
    %swap3A_26 = arith.constant 96 : index
    %swap3A_27 = tpu.vector_load %arg10[%swap3A_26] {strides = array<i32>} : memref<576xf32, #tpu.memory_space<vmem>>, vector<16xf32>,
    tpu.vector_store %arg10[%swap3A_26], %broadcast_in_dim3A_14 {strides = array<i32>} : memref<576xf32, #tpu.memory_space<vmem>>, vector<16xf32>,
    %swap3A_28 = arith.constant 112 : index
    %swap3A_29 = tpu.vector_load %arg10[%swap3A_28] {strides = array<i32>} : memref<576xf32, #tpu.memory_space<vmem>>, vector<16xf32>,
    tpu.vector_store %arg10[%swap3A_28], %broadcast_in_dim3A_14 {strides = array<i32>} : memref<576xf32, #tpu.memory_space<vmem>>, vector<16xf32>,
    %swap3A_30 = arith.constant 128 : index
    %swap3A_31 = tpu.vector_load %arg10[%swap3A_30] {strides = array<i32>} : memref<576xf32, #tpu.memory_space<vmem>>, vector<16xf32>,
    tpu.vector_store %arg10[%swap3A_30], %broadcast_in_dim3A_14 {strides = array<i32>} : memref<576xf32, #tpu.memory_space<vmem>>, vector<16xf32>,
    %swap3A_32 = arith.constant 144 : index
    %swap3A_33 = tpu.vector_load %arg10[%swap3A_32] {strides = array<i32>} : memref<576xf32, #tpu.memory_space<vmem>>, vector<16xf32>,
    tpu.vector_store %arg10[%swap3A_32], %broadcast_in_dim3A_14 {strides = array<i32>} : memref<576xf32, #tpu.memory_space<vmem>>, vector<16xf32>,
    %swap3A_34 = arith.constant 160 : index
    %swap3A_35 = tpu.vector_load %arg10[%swap3A_34] {strides = array<i32>} : memref<576xf32, #tpu.memory_space<vmem>>, vector<16xf32>,
    tpu.vector_store %arg10[%swap3A_34], %broadcast_in_dim3A_14 {strides = array<i32>} : memref<576xf32, #tpu.memory_space<vmem>>, vector<16xf32>,
    %swap3A_36 = arith.constant 176 : index
    %swap3A_37 = tpu.vector_load %arg10[%swap3A_36] {strides = array<i32>} : memref<576xf32, #tpu.memory_space<vmem>>, vector<16xf32>,
    tpu.vector_store %arg10[%swap3A_36], %broadcast_in_dim3A_14 {strides = array<i32>} : memref<576xf32, #tpu.memory_space<vmem>>, vector<16xf32>,
    %swap3A_38 = arith.constant 192 : index
    %swap3A_39 = tpu.vector_load %arg10[%swap3A_38] {strides = array<i32>} : memref<576xf32, #tpu.memory_space<vmem>>, vector<16xf32>,
    tpu.vector_store %arg10[%swap3A_38], %broadcast_in_dim3A_14 {strides = array<i32>} : memref<576xf32, #tpu.memory_space<vmem>>, vector<16xf32>,
    %swap3A_40 = arith.constant 208 : index
    %swap3A_41 = tpu.vector_load %arg10[%swap3A_40] {strides = array<i32>} : memref<576xf32, #tpu.memory_space<vmem>>, vector<16xf32>,
    tpu.vector_store %arg10[%swap3A_40], %broadcast_in_dim3A_14 {strides = array<i32>} : memref<576xf32, #tpu.memory_space<vmem>>, vector<16xf32>,
    %swap3A_42 = arith.constant 224 : index
    %swap3A_43 = tpu.vector_load %arg10[%swap3A_42] {strides = array<i32>} : memref<576xf32, #tpu.memory_space<vmem>>, vector<16xf32>,
    tpu.vector_store %arg10[%swap3A_42], %broadcast_in_dim3A_14 {strides = array<i32>} : memref<576xf32, #tpu.memory_space<vmem>>, vector<16xf32>,
    %swap3A_44 = arith.constant 240 : index
    %swap3A_45 = tpu.vector_load %arg10[%swap3A_44] {strides = array<i32>} : memref<576xf32, #tpu.memory_space<vmem>>, vector<16xf32>,
    tpu.vector_store %arg10[%swap3A_44], %broadcast_in_dim3A_14 {strides = array<i32>} : memref<576xf32, #tpu.memory_space<vmem>>, vector<16xf32>,
    %swap3A_46 = arith.constant 256 : index
    %swap3A_47 = tpu.vector_load %arg10[%swap3A_46] {strides = array<i32>} : memref<576xf32, #tpu.memory_space<vmem>>, vector<16xf32>,
    tpu.vector_store %arg10[%swap3A_46], %broadcast_in_dim3A_14 {strides = array<i32>} : memref<576xf32, #tpu.memory_space<vmem>>, vector<16xf32>,
    %swap3A_48 = arith.constant 272 : index
    %swap3A_49 = tpu.vector_load %arg10[%swap3A_48] {strides = array<i32>} : memref<576xf32, #tpu.memory_space<vmem>>, vector<16xf32>,
    tpu.vector_store %arg10[%swap3A_48], %broadcast_in_dim3A_14 {strides = array<i32>} : memref<576xf32, #tpu.memory_space<vmem>>, vector<16xf32>,
    %swap3A_50 = arith.constant 288 : index
    %swap3A_51 = tpu.vector_load %arg10[%swap3A_50] {strides = array<i32>} : memref<576xf32, #tpu.memory_space<vmem>>, vector<16xf32>,
    tpu.vector_store %arg10[%swap3A_50], %broadcast_in_dim3A_14 {strides = array<i32>} : memref<576xf32, #tpu.memory_space<vmem>>, vector<16xf32>,
    %swap3A_52 = arith.constant 304 : index
    %swap3A_53 = tpu.vector_load %arg10[%swap3A_52] {strides = array<i32>} : memref<576xf32, #tpu.memory_space<vmem>>, vector<16xf32>,
    tpu.vector_store %arg10[%swap3A_52], %broadcast_in_dim3A_14 {strides = array<i32>} : memref<576xf32, #tpu.memory_space<vmem>>, vector<16xf32>,
    %swap3A_54 = arith.constant 320 : index
    %swap3A_55 = tpu.vector_load %arg10[%swap3A_54] {strides = array<i32>} : memref<576xf32, #tpu.memory_space<vmem>>, vector<16xf32>,
    tpu.vector_store %arg10[%swap3A_54], %broadcast_in_dim3A_14 {strides = array<i32>} : memref<576xf32, #tpu.memory_space<vmem>>, vector<16xf32>,
    %swap3A_56 = arith.constant 336 : index
    %swap3A_57 = tpu.vector_load %arg10[%swap3A_56] {strides = array<i32>} : memref<576xf32, #tpu.memory_space<vmem>>, vector<16xf32>,
    tpu.vector_store %arg10[%swap3A_56], %broadcast_in_dim3A_14 {strides = array<i32>} : memref<576xf32, #tpu.memory_space<vmem>>, vector<16xf32>,
    %swap3A_58 = arith.constant 352 : index
    %swap3A_59 = tpu.vector_load %arg10[%swap3A_58] {strides = array<i32>} : memref<576xf32, #tpu.memory_space<vmem>>, vector<16xf32>,
    tpu.vector_store %arg10[%swap3A_58], %broadcast_in_dim3A_14 {strides = array<i32>} : memref<576xf32, #tpu.memory_space<vmem>>, vector<16xf32>,
    %swap3A_60 = arith.constant 368 : index
    %swap3A_61 = tpu.vector_load %arg10[%swap3A_60] {strides = array<i32>} : memref<576xf32, #tpu.memory_space<vmem>>, vector<16xf32>,
    tpu.vector_store %arg10[%swap3A_60], %broadcast_in_dim3A_14 {strides = array<i32>} : memref<576xf32, #tpu.memory_space<vmem>>, vector<16xf32>,
    %swap3A_62 = arith.constant 384 : index
    %swap3A_63 = tpu.vector_load %arg10[%swap3A_62] {strides = array<i32>} : memref<576xf32, #tpu.memory_space<vmem>>, vector<16xf32>,
    tpu.vector_store %arg10[%swap3A_62], %broadcast_in_dim3A_14 {strides = array<i32>} : memref<576xf32, #tpu.memory_space<vmem>>, vector<16xf32>,
    %swap3A_64 = arith.constant 400 : index
    %swap3A_65 = tpu.vector_load %arg10[%swap3A_64] {strides = array<i32>} : memref<576xf32, #tpu.memory_space<vmem>>, vector<16xf32>,
    tpu.vector_store %arg10[%swap3A_64], %broadcast_in_dim3A_14 {strides = array<i32>} : memref<576xf32, #tpu.memory_space<vmem>>, vector<16xf32>,
    %swap3A_66 = arith.constant 416 : index
    %swap3A_67 = tpu.vector_load %arg10[%swap3A_66] {strides = array<i32>} : memref<576xf32, #tpu.memory_space<vmem>>, vector<16xf32>,
    tpu.vector_store %arg10[%swap3A_66], %broadcast_in_dim3A_14 {strides = array<i32>} : memref<576xf32, #tpu.memory_space<vmem>>, vector<16xf32>,
    %swap3A_68 = arith.constant 432 : index
    %swap3A_69 = tpu.vector_load %arg10[%swap3A_68] {strides = array<i32>} : memref<576xf32, #tpu.memory_space<vmem>>, vector<16xf32>,
    tpu.vector_store %arg10[%swap3A_68], %broadcast_in_dim3A_14 {strides = array<i32>} : memref<576xf32, #tpu.memory_space<vmem>>, vector<16xf32>,
    %swap3A_70 = arith.constant 448 : index
    %swap3A_71 = tpu.vector_load %arg10[%swap3A_70] {strides = array<i32>} : memref<576xf32, #tpu.memory_space<vmem>>, vector<16xf32>,
    tpu.vector_store %arg10[%swap3A_70], %broadcast_in_dim3A_14 {strides = array<i32>} : memref<576xf32, #tpu.memory_space<vmem>>, vector<16xf32>,
    %swap3A_72 = arith.constant 464 : index
    %swap3A_73 = tpu.vector_load %arg10[%swap3A_72] {strides = array<i32>} : memref<576xf32, #tpu.memory_space<vmem>>, vector<16xf32>,
    tpu.vector_store %arg10[%swap3A_72], %broadcast_in_dim3A_14 {strides = array<i32>} : memref<576xf32, #tpu.memory_space<vmem>>, vector<16xf32>,
    %swap3A_74 = arith.constant 480 : index
    %swap3A_75 = tpu.vector_load %arg10[%swap3A_74] {strides = array<i32>} : memref<576xf32, #tpu.memory_space<vmem>>, vector<16xf32>,
    tpu.vector_store %arg10[%swap3A_74], %broadcast_in_dim3A_14 {strides = array<i32>} : memref<576xf32, #tpu.memory_space<vmem>>, vector<16xf32>,
    %swap3A_76 = arith.constant 496 : index
    %swap3A_77 = tpu.vector_load %arg10[%swap3A_76] {strides = array<i32>} : memref<576xf32, #tpu.memory_space<vmem>>, vector<16xf32>,
    tpu.vector_store %arg10[%swap3A_76], %broadcast_in_dim3A_14 {strides = array<i32>} : memref<576xf32, #tpu.memory_space<vmem>>, vector<16xf32>,
    %swap3A_78 = arith.constant 512 : index
    %swap3A_79 = tpu.vector_load %arg10[%swap3A_78] {strides = array<i32>} : memref<576xf32, #tpu.memory_space<vmem>>, vector<16xf32>,
    tpu.vector_store %arg10[%swap3A_78], %broadcast_in_dim3A_14 {strides = array<i32>} : memref<576xf32, #tpu.memory_space<vmem>>, vector<16xf32>,
    %swap3A_80 = arith.constant 528 : index
    %swap3A_81 = tpu.vector_load %arg10[%swap3A_80] {strides = array<i32>} : memref<576xf32, #tpu.memory_space<vmem>>, vector<16xf32>,
    tpu.vector_store %arg10[%swap3A_80], %broadcast_in_dim3A_14 {strides = array<i32>} : memref<576xf32, #tpu.memory_space<vmem>>, vector<16xf32>,
    %swap3A_82 = arith.constant 544 : index
    %swap3A_83 = tpu.vector_load %arg10[%swap3A_82] {strides = array<i32>} : memref<576xf32, #tpu.memory_space<vmem>>, vector<16xf32>,
    tpu.vector_store %arg10[%swap3A_82], %broadcast_in_dim3A_14 {strides = array<i32>} : memref<576xf32, #tpu.memory_space<vmem>>, vector<16xf32>,
    %swap3A_84 = arith.constant 560 : index
    %swap3A_85 = tpu.vector_load %arg10[%swap3A_84] {strides = array<i32>} : memref<576xf32, #tpu.memory_space<vmem>>, vector<16xf32>,
    tpu.vector_store %arg10[%swap3A_84], %broadcast_in_dim3A_14 {strides = array<i32>} : memref<576xf32, #tpu.memory_space<vmem>>, vector<16xf32>,
    %dma_wait3A = arith.constant 192 : i32
    %dma_wait3A_86 = tpu.memref_slice %arg2[%dma_wait3A, %mul3A_2] : memref<200x16384xi32, #tpu.memory_space<hbm>> -> memref<8x512xi32, #tpu.memory_space<hbm>>
    %dma_wait3A_87 = arith.constant 192 : i32
    %dma_wait3A_88 = tpu.memref_slice %arg2[%dma_wait3A_87, %mul3A_2] : memref<200x16384xi32, #tpu.memory_space<hbm>> -> memref<8x512xi32, #tpu.memory_space<hbm>>
    tpu.wait_dma2 semaphore(%arg12 : memref<!tpu.dma_semaphore, #tpu.memory_space<semaphore_mem>>) src(%dma_wait3A_88 : memref<8x512xi32, #tpu.memory_space<hbm>>) dst(%arg6 : memref<8x512xi32, #tpu.memory_space<vmem>>)
    %scan3A = arith.constant 0 : i32
    %scan3A_89 = arith.constant 0 : i32
    %scan3A_90 = arith.constant 4 : i32
    %scan3A_91 = arith.addi %scan3A_89, %scan3A_90 : i32
    %scan3A_92 = arith.constant 1 : i32
    scf.for %scan3A_312 = %scan3A_89 to %scan3A_91 step %scan3A_92  : i32 {
      %mul3A_313 = arith.constant 2 : i32
      %mul3A_314 = arith.muli %mul3A_313, %scan3A_312 : i32
      %add3A_315 = arith.constant 192 : i32
      %add3A_316 = arith.addi %add3A_315, %mul3A_314 : i32
      %mul3A_317 = arith.constant 24 : i32
      %mul3A_318 = arith.muli %add3A_316, %mul3A_317 : i32
      %dma_wait3A_319 = tpu.memref_slice %arg3[%mul3A_318, %mul3A_2] : memref<4800x16384xf32, #tpu.memory_space<hbm>> -> memref<24x512xf32, #tpu.memory_space<hbm>>
      %dma_wait3A_320 = tpu.memref_slice %arg3[%mul3A_318, %mul3A_2] : memref<4800x16384xf32, #tpu.memory_space<hbm>> -> memref<24x512xf32, #tpu.memory_space<hbm>>
      tpu.wait_dma2 semaphore(%arg13 : memref<!tpu.dma_semaphore, #tpu.memory_space<semaphore_mem>>) src(%dma_wait3A_320 : memref<24x512xf32, #tpu.memory_space<hbm>>) dst(%arg7 : memref<24x512xf32, #tpu.memory_space<vmem>>)
      %parallel_loop3A = arith.constant 0 : i32
      %parallel_loop3A_321 = arith.constant 32 : i32
      %parallel_loop3A_322 = arith.constant 1 : i32
      scf.for %parallel_loop3A_345 = %parallel_loop3A to %parallel_loop3A_321 step %parallel_loop3A_322  : i32 {
        %parallel_loop3A_346 = arith.constant 16 : i32
        %parallel_loop3A_347 = arith.muli %parallel_loop3A_345, %parallel_loop3A_346 : i32
        %parallel_loop3A_348 = arith.index_cast %mul3A_314 : i32 to index
        %parallel_loop3A_349 = arith.index_cast %parallel_loop3A_347 : i32 to index
        %parallel_loop3A_350 = tpu.vector_load %arg6[%parallel_loop3A_348, %parallel_loop3A_349] {strides = array<i32>} : memref<8x512xi32, #tpu.memory_space<vmem>>, vector<16xi32>,
        %parallel_loop3A_351 = arith.constant 24 : i32
        %parallel_loop3A_352 = vector.broadcast %parallel_loop3A_351 : i32 to vector<16xi32>
        %parallel_loop3A_353 = arith.muli %parallel_loop3A_350, %parallel_loop3A_352 : vector<16xi32>
        %parallel_loop3A_354 = arith.constant 16 : i32
        %parallel_loop3A_355 = arith.muli %parallel_loop3A_345, %parallel_loop3A_354 : i32
        %parallel_loop3A_356 = arith.constant 0 : i32
        %parallel_loop3A_357 = arith.index_cast %parallel_loop3A_356 : i32 to index
        %parallel_loop3A_358 = arith.index_cast %parallel_loop3A_355 : i32 to index
        %parallel_loop3A_359 = tpu.vector_load %arg7[%parallel_loop3A_357, %parallel_loop3A_358] {strides = array<i32>} : memref<24x512xf32, #tpu.memory_space<vmem>>, vector<16xf32>,
        %parallel_loop3A_360 = arith.constant 0 : i32
        %parallel_loop3A_361 = vector.broadcast %parallel_loop3A_360 : i32 to vector<16xi32>
        %parallel_loop3A_362 = arith.addi %parallel_loop3A_353, %parallel_loop3A_361 : vector<16xi32>
        tpu.vector_store_idx %arg10[%parallel_loop3A_362], %parallel_loop3A_359 {add = true} : memref<576xf32, #tpu.memory_space<vmem>>[vector<16xi32>], vector<16xf32>,
        %parallel_loop3A_363 = arith.constant 16 : i32
        %parallel_loop3A_364 = arith.muli %parallel_loop3A_345, %parallel_loop3A_363 : i32
        %parallel_loop3A_365 = arith.constant 1 : i32
        %parallel_loop3A_366 = arith.index_cast %parallel_loop3A_365 : i32 to index
        %parallel_loop3A_367 = arith.index_cast %parallel_loop3A_364 : i32 to index
        %parallel_loop3A_368 = tpu.vector_load %arg7[%parallel_loop3A_366, %parallel_loop3A_367] {strides = array<i32>} : memref<24x512xf32, #tpu.memory_space<vmem>>, vector<16xf32>,
        %parallel_loop3A_369 = arith.constant 1 : i32
        %parallel_loop3A_370 = vector.broadcast %parallel_loop3A_369 : i32 to vector<16xi32>
        %parallel_loop3A_371 = arith.addi %parallel_loop3A_353, %parallel_loop3A_370 : vector<16xi32>
        tpu.vector_store_idx %arg10[%parallel_loop3A_371], %parallel_loop3A_368 {add = true} : memref<576xf32, #tpu.memory_space<vmem>>[vector<16xi32>], vector<16xf32>,
        %parallel_loop3A_372 = arith.constant 16 : i32
        %parallel_loop3A_373 = arith.muli %parallel_loop3A_345, %parallel_loop3A_372 : i32
        %parallel_loop3A_374 = arith.constant 2 : i32
        %parallel_loop3A_375 = arith.index_cast %parallel_loop3A_374 : i32 to index
        %parallel_loop3A_376 = arith.index_cast %parallel_loop3A_373 : i32 to index
        %parallel_loop3A_377 = tpu.vector_load %arg7[%parallel_loop3A_375, %parallel_loop3A_376] {strides = array<i32>} : memref<24x512xf32, #tpu.memory_space<vmem>>, vector<16xf32>,
        %parallel_loop3A_378 = arith.constant 2 : i32
        %parallel_loop3A_379 = vector.broadcast %parallel_loop3A_378 : i32 to vector<16xi32>
        %parallel_loop3A_380 = arith.addi %parallel_loop3A_353, %parallel_loop3A_379 : vector<16xi32>
        tpu.vector_store_idx %arg10[%parallel_loop3A_380], %parallel_loop3A_377 {add = true} : memref<576xf32, #tpu.memory_space<vmem>>[vector<16xi32>], vector<16xf32>,
        %parallel_loop3A_381 = arith.constant 16 : i32
        %parallel_loop3A_382 = arith.muli %parallel_loop3A_345, %parallel_loop3A_381 : i32
        %parallel_loop3A_383 = arith.constant 3 : i32
        %parallel_loop3A_384 = arith.index_cast %parallel_loop3A_383 : i32 to index
        %parallel_loop3A_385 = arith.index_cast %parallel_loop3A_382 : i32 to index
        %parallel_loop3A_386 = tpu.vector_load %arg7[%parallel_loop3A_384, %parallel_loop3A_385] {strides = array<i32>} : memref<24x512xf32, #tpu.memory_space<vmem>>, vector<16xf32>,
        %parallel_loop3A_387 = arith.constant 3 : i32
        %parallel_loop3A_388 = vector.broadcast %parallel_loop3A_387 : i32 to vector<16xi32>
        %parallel_loop3A_389 = arith.addi %parallel_loop3A_353, %parallel_loop3A_388 : vector<16xi32>
        tpu.vector_store_idx %arg10[%parallel_loop3A_389], %parallel_loop3A_386 {add = true} : memref<576xf32, #tpu.memory_space<vmem>>[vector<16xi32>], vector<16xf32>,
        %parallel_loop3A_390 = arith.constant 16 : i32
        %parallel_loop3A_391 = arith.muli %parallel_loop3A_345, %parallel_loop3A_390 : i32
        %parallel_loop3A_392 = arith.constant 4 : i32
        %parallel_loop3A_393 = arith.index_cast %parallel_loop3A_392 : i32 to index
        %parallel_loop3A_394 = arith.index_cast %parallel_loop3A_391 : i32 to index
        %parallel_loop3A_395 = tpu.vector_load %arg7[%parallel_loop3A_393, %parallel_loop3A_394] {strides = array<i32>} : memref<24x512xf32, #tpu.memory_space<vmem>>, vector<16xf32>,
        %parallel_loop3A_396 = arith.constant 4 : i32
        %parallel_loop3A_397 = vector.broadcast %parallel_loop3A_396 : i32 to vector<16xi32>
        %parallel_loop3A_398 = arith.addi %parallel_loop3A_353, %parallel_loop3A_397 : vector<16xi32>
        tpu.vector_store_idx %arg10[%parallel_loop3A_398], %parallel_loop3A_395 {add = true} : memref<576xf32, #tpu.memory_space<vmem>>[vector<16xi32>], vector<16xf32>,
        %parallel_loop3A_399 = arith.constant 16 : i32
        %parallel_loop3A_400 = arith.muli %parallel_loop3A_345, %parallel_loop3A_399 : i32
        %parallel_loop3A_401 = arith.constant 5 : i32
        %parallel_loop3A_402 = arith.index_cast %parallel_loop3A_401 : i32 to index
        %parallel_loop3A_403 = arith.index_cast %parallel_loop3A_400 : i32 to index
        %parallel_loop3A_404 = tpu.vector_load %arg7[%parallel_loop3A_402, %parallel_loop3A_403] {strides = array<i32>} : memref<24x512xf32, #tpu.memory_space<vmem>>, vector<16xf32>,
        %parallel_loop3A_405 = arith.constant 5 : i32
        %parallel_loop3A_406 = vector.broadcast %parallel_loop3A_405 : i32 to vector<16xi32>
        %parallel_loop3A_407 = arith.addi %parallel_loop3A_353, %parallel_loop3A_406 : vector<16xi32>
        tpu.vector_store_idx %arg10[%parallel_loop3A_407], %parallel_loop3A_404 {add = true} : memref<576xf32, #tpu.memory_space<vmem>>[vector<16xi32>], vector<16xf32>,
        %parallel_loop3A_408 = arith.constant 16 : i32
        %parallel_loop3A_409 = arith.muli %parallel_loop3A_345, %parallel_loop3A_408 : i32
        %parallel_loop3A_410 = arith.constant 6 : i32
        %parallel_loop3A_411 = arith.index_cast %parallel_loop3A_410 : i32 to index
        %parallel_loop3A_412 = arith.index_cast %parallel_loop3A_409 : i32 to index
        %parallel_loop3A_413 = tpu.vector_load %arg7[%parallel_loop3A_411, %parallel_loop3A_412] {strides = array<i32>} : memref<24x512xf32, #tpu.memory_space<vmem>>, vector<16xf32>,
        %parallel_loop3A_414 = arith.constant 6 : i32
        %parallel_loop3A_415 = vector.broadcast %parallel_loop3A_414 : i32 to vector<16xi32>
        %parallel_loop3A_416 = arith.addi %parallel_loop3A_353, %parallel_loop3A_415 : vector<16xi32>
        tpu.vector_store_idx %arg10[%parallel_loop3A_416], %parallel_loop3A_413 {add = true} : memref<576xf32, #tpu.memory_space<vmem>>[vector<16xi32>], vector<16xf32>,
        %parallel_loop3A_417 = arith.constant 16 : i32
        %parallel_loop3A_418 = arith.muli %parallel_loop3A_345, %parallel_loop3A_417 : i32
        %parallel_loop3A_419 = arith.constant 7 : i32
        %parallel_loop3A_420 = arith.index_cast %parallel_loop3A_419 : i32 to index
        %parallel_loop3A_421 = arith.index_cast %parallel_loop3A_418 : i32 to index
        %parallel_loop3A_422 = tpu.vector_load %arg7[%parallel_loop3A_420, %parallel_loop3A_421] {strides = array<i32>} : memref<24x512xf32, #tpu.memory_space<vmem>>, vector<16xf32>,
        %parallel_loop3A_423 = arith.constant 7 : i32
        %parallel_loop3A_424 = vector.broadcast %parallel_loop3A_423 : i32 to vector<16xi32>
        %parallel_loop3A_425 = arith.addi %parallel_loop3A_353, %parallel_loop3A_424 : vector<16xi32>
        tpu.vector_store_idx %arg10[%parallel_loop3A_425], %parallel_loop3A_422 {add = true} : memref<576xf32, #tpu.memory_space<vmem>>[vector<16xi32>], vector<16xf32>,
        %parallel_loop3A_426 = arith.constant 16 : i32
        %parallel_loop3A_427 = arith.muli %parallel_loop3A_345, %parallel_loop3A_426 : i32
        %parallel_loop3A_428 = arith.constant 8 : i32
        %parallel_loop3A_429 = arith.index_cast %parallel_loop3A_428 : i32 to index
        %parallel_loop3A_430 = arith.index_cast %parallel_loop3A_427 : i32 to index
        %parallel_loop3A_431 = tpu.vector_load %arg7[%parallel_loop3A_429, %parallel_loop3A_430] {strides = array<i32>} : memref<24x512xf32, #tpu.memory_space<vmem>>, vector<16xf32>,
        %parallel_loop3A_432 = arith.constant 8 : i32
        %parallel_loop3A_433 = vector.broadcast %parallel_loop3A_432 : i32 to vector<16xi32>
        %parallel_loop3A_434 = arith.addi %parallel_loop3A_353, %parallel_loop3A_433 : vector<16xi32>
        tpu.vector_store_idx %arg10[%parallel_loop3A_434], %parallel_loop3A_431 {add = true} : memref<576xf32, #tpu.memory_space<vmem>>[vector<16xi32>], vector<16xf32>,
        %parallel_loop3A_435 = arith.constant 16 : i32
        %parallel_loop3A_436 = arith.muli %parallel_loop3A_345, %parallel_loop3A_435 : i32
        %parallel_loop3A_437 = arith.constant 9 : i32
        %parallel_loop3A_438 = arith.index_cast %parallel_loop3A_437 : i32 to index
        %parallel_loop3A_439 = arith.index_cast %parallel_loop3A_436 : i32 to index
        %parallel_loop3A_440 = tpu.vector_load %arg7[%parallel_loop3A_438, %parallel_loop3A_439] {strides = array<i32>} : memref<24x512xf32, #tpu.memory_space<vmem>>, vector<16xf32>,
        %parallel_loop3A_441 = arith.constant 9 : i32
        %parallel_loop3A_442 = vector.broadcast %parallel_loop3A_441 : i32 to vector<16xi32>
        %parallel_loop3A_443 = arith.addi %parallel_loop3A_353, %parallel_loop3A_442 : vector<16xi32>
        tpu.vector_store_idx %arg10[%parallel_loop3A_443], %parallel_loop3A_440 {add = true} : memref<576xf32, #tpu.memory_space<vmem>>[vector<16xi32>], vector<16xf32>,
        %parallel_loop3A_444 = arith.constant 16 : i32
        %parallel_loop3A_445 = arith.muli %parallel_loop3A_345, %parallel_loop3A_444 : i32
        %parallel_loop3A_446 = arith.constant 10 : i32
        %parallel_loop3A_447 = arith.index_cast %parallel_loop3A_446 : i32 to index
        %parallel_loop3A_448 = arith.index_cast %parallel_loop3A_445 : i32 to index
        %parallel_loop3A_449 = tpu.vector_load %arg7[%parallel_loop3A_447, %parallel_loop3A_448] {strides = array<i32>} : memref<24x512xf32, #tpu.memory_space<vmem>>, vector<16xf32>,
        %parallel_loop3A_450 = arith.constant 10 : i32
        %parallel_loop3A_451 = vector.broadcast %parallel_loop3A_450 : i32 to vector<16xi32>
        %parallel_loop3A_452 = arith.addi %parallel_loop3A_353, %parallel_loop3A_451 : vector<16xi32>
        tpu.vector_store_idx %arg10[%parallel_loop3A_452], %parallel_loop3A_449 {add = true} : memref<576xf32, #tpu.memory_space<vmem>>[vector<16xi32>], vector<16xf32>,
        %parallel_loop3A_453 = arith.constant 16 : i32
        %parallel_loop3A_454 = arith.muli %parallel_loop3A_345, %parallel_loop3A_453 : i32
        %parallel_loop3A_455 = arith.constant 11 : i32
        %parallel_loop3A_456 = arith.index_cast %parallel_loop3A_455 : i32 to index
        %parallel_loop3A_457 = arith.index_cast %parallel_loop3A_454 : i32 to index
        %parallel_loop3A_458 = tpu.vector_load %arg7[%parallel_loop3A_456, %parallel_loop3A_457] {strides = array<i32>} : memref<24x512xf32, #tpu.memory_space<vmem>>, vector<16xf32>,
        %parallel_loop3A_459 = arith.constant 11 : i32
        %parallel_loop3A_460 = vector.broadcast %parallel_loop3A_459 : i32 to vector<16xi32>
        %parallel_loop3A_461 = arith.addi %parallel_loop3A_353, %parallel_loop3A_460 : vector<16xi32>
        tpu.vector_store_idx %arg10[%parallel_loop3A_461], %parallel_loop3A_458 {add = true} : memref<576xf32, #tpu.memory_space<vmem>>[vector<16xi32>], vector<16xf32>,
        %parallel_loop3A_462 = arith.constant 16 : i32
        %parallel_loop3A_463 = arith.muli %parallel_loop3A_345, %parallel_loop3A_462 : i32
        %parallel_loop3A_464 = arith.constant 12 : i32
        %parallel_loop3A_465 = arith.index_cast %parallel_loop3A_464 : i32 to index
        %parallel_loop3A_466 = arith.index_cast %parallel_loop3A_463 : i32 to index
        %parallel_loop3A_467 = tpu.vector_load %arg7[%parallel_loop3A_465, %parallel_loop3A_466] {strides = array<i32>} : memref<24x512xf32, #tpu.memory_space<vmem>>, vector<16xf32>,
        %parallel_loop3A_468 = arith.constant 12 : i32
        %parallel_loop3A_469 = vector.broadcast %parallel_loop3A_468 : i32 to vector<16xi32>
        %parallel_loop3A_470 = arith.addi %parallel_loop3A_353, %parallel_loop3A_469 : vector<16xi32>
        tpu.vector_store_idx %arg10[%parallel_loop3A_470], %parallel_loop3A_467 {add = true} : memref<576xf32, #tpu.memory_space<vmem>>[vector<16xi32>], vector<16xf32>,
        %parallel_loop3A_471 = arith.constant 16 : i32
        %parallel_loop3A_472 = arith.muli %parallel_loop3A_345, %parallel_loop3A_471 : i32
        %parallel_loop3A_473 = arith.constant 13 : i32
        %parallel_loop3A_474 = arith.index_cast %parallel_loop3A_473 : i32 to index
        %parallel_loop3A_475 = arith.index_cast %parallel_loop3A_472 : i32 to index
        %parallel_loop3A_476 = tpu.vector_load %arg7[%parallel_loop3A_474, %parallel_loop3A_475] {strides = array<i32>} : memref<24x512xf32, #tpu.memory_space<vmem>>, vector<16xf32>,
        %parallel_loop3A_477 = arith.constant 13 : i32
        %parallel_loop3A_478 = vector.broadcast %parallel_loop3A_477 : i32 to vector<16xi32>
        %parallel_loop3A_479 = arith.addi %parallel_loop3A_353, %parallel_loop3A_478 : vector<16xi32>
        tpu.vector_store_idx %arg10[%parallel_loop3A_479], %parallel_loop3A_476 {add = true} : memref<576xf32, #tpu.memory_space<vmem>>[vector<16xi32>], vector<16xf32>,
        %parallel_loop3A_480 = arith.constant 16 : i32
        %parallel_loop3A_481 = arith.muli %parallel_loop3A_345, %parallel_loop3A_480 : i32
        %parallel_loop3A_482 = arith.constant 14 : i32
        %parallel_loop3A_483 = arith.index_cast %parallel_loop3A_482 : i32 to index
        %parallel_loop3A_484 = arith.index_cast %parallel_loop3A_481 : i32 to index
        %parallel_loop3A_485 = tpu.vector_load %arg7[%parallel_loop3A_483, %parallel_loop3A_484] {strides = array<i32>} : memref<24x512xf32, #tpu.memory_space<vmem>>, vector<16xf32>,
        %parallel_loop3A_486 = arith.constant 14 : i32
        %parallel_loop3A_487 = vector.broadcast %parallel_loop3A_486 : i32 to vector<16xi32>
        %parallel_loop3A_488 = arith.addi %parallel_loop3A_353, %parallel_loop3A_487 : vector<16xi32>
        tpu.vector_store_idx %arg10[%parallel_loop3A_488], %parallel_loop3A_485 {add = true} : memref<576xf32, #tpu.memory_space<vmem>>[vector<16xi32>], vector<16xf32>,
        %parallel_loop3A_489 = arith.constant 16 : i32
        %parallel_loop3A_490 = arith.muli %parallel_loop3A_345, %parallel_loop3A_489 : i32
        %parallel_loop3A_491 = arith.constant 15 : i32
        %parallel_loop3A_492 = arith.index_cast %parallel_loop3A_491 : i32 to index
        %parallel_loop3A_493 = arith.index_cast %parallel_loop3A_490 : i32 to index
        %parallel_loop3A_494 = tpu.vector_load %arg7[%parallel_loop3A_492, %parallel_loop3A_493] {strides = array<i32>} : memref<24x512xf32, #tpu.memory_space<vmem>>, vector<16xf32>,
        %parallel_loop3A_495 = arith.constant 15 : i32
        %parallel_loop3A_496 = vector.broadcast %parallel_loop3A_495 : i32 to vector<16xi32>
        %parallel_loop3A_497 = arith.addi %parallel_loop3A_353, %parallel_loop3A_496 : vector<16xi32>
        tpu.vector_store_idx %arg10[%parallel_loop3A_497], %parallel_loop3A_494 {add = true} : memref<576xf32, #tpu.memory_space<vmem>>[vector<16xi32>], vector<16xf32>,
        %parallel_loop3A_498 = arith.constant 16 : i32
        %parallel_loop3A_499 = arith.muli %parallel_loop3A_345, %parallel_loop3A_498 : i32
        %parallel_loop3A_500 = arith.constant 16 : i32
        %parallel_loop3A_501 = arith.index_cast %parallel_loop3A_500 : i32 to index
        %parallel_loop3A_502 = arith.index_cast %parallel_loop3A_499 : i32 to index
        %parallel_loop3A_503 = tpu.vector_load %arg7[%parallel_loop3A_501, %parallel_loop3A_502] {strides = array<i32>} : memref<24x512xf32, #tpu.memory_space<vmem>>, vector<16xf32>,
        %parallel_loop3A_504 = arith.constant 16 : i32
        %parallel_loop3A_505 = vector.broadcast %parallel_loop3A_504 : i32 to vector<16xi32>
        %parallel_loop3A_506 = arith.addi %parallel_loop3A_353, %parallel_loop3A_505 : vector<16xi32>
        tpu.vector_store_idx %arg10[%parallel_loop3A_506], %parallel_loop3A_503 {add = true} : memref<576xf32, #tpu.memory_space<vmem>>[vector<16xi32>], vector<16xf32>,
        %parallel_loop3A_507 = arith.constant 16 : i32
        %parallel_loop3A_508 = arith.muli %parallel_loop3A_345, %parallel_loop3A_507 : i32
        %parallel_loop3A_509 = arith.constant 17 : i32
        %parallel_loop3A_510 = arith.index_cast %parallel_loop3A_509 : i32 to index
        %parallel_loop3A_511 = arith.index_cast %parallel_loop3A_508 : i32 to index
        %parallel_loop3A_512 = tpu.vector_load %arg7[%parallel_loop3A_510, %parallel_loop3A_511] {strides = array<i32>} : memref<24x512xf32, #tpu.memory_space<vmem>>, vector<16xf32>,
        %parallel_loop3A_513 = arith.constant 17 : i32
        %parallel_loop3A_514 = vector.broadcast %parallel_loop3A_513 : i32 to vector<16xi32>
        %parallel_loop3A_515 = arith.addi %parallel_loop3A_353, %parallel_loop3A_514 : vector<16xi32>
        tpu.vector_store_idx %arg10[%parallel_loop3A_515], %parallel_loop3A_512 {add = true} : memref<576xf32, #tpu.memory_space<vmem>>[vector<16xi32>], vector<16xf32>,
        %parallel_loop3A_516 = arith.constant 16 : i32
        %parallel_loop3A_517 = arith.muli %parallel_loop3A_345, %parallel_loop3A_516 : i32
        %parallel_loop3A_518 = arith.constant 18 : i32
        %parallel_loop3A_519 = arith.index_cast %parallel_loop3A_518 : i32 to index
        %parallel_loop3A_520 = arith.index_cast %parallel_loop3A_517 : i32 to index
        %parallel_loop3A_521 = tpu.vector_load %arg7[%parallel_loop3A_519, %parallel_loop3A_520] {strides = array<i32>} : memref<24x512xf32, #tpu.memory_space<vmem>>, vector<16xf32>,
        %parallel_loop3A_522 = arith.constant 18 : i32
        %parallel_loop3A_523 = vector.broadcast %parallel_loop3A_522 : i32 to vector<16xi32>
        %parallel_loop3A_524 = arith.addi %parallel_loop3A_353, %parallel_loop3A_523 : vector<16xi32>
        tpu.vector_store_idx %arg10[%parallel_loop3A_524], %parallel_loop3A_521 {add = true} : memref<576xf32, #tpu.memory_space<vmem>>[vector<16xi32>], vector<16xf32>,
        %parallel_loop3A_525 = arith.constant 16 : i32
        %parallel_loop3A_526 = arith.muli %parallel_loop3A_345, %parallel_loop3A_525 : i32
        %parallel_loop3A_527 = arith.constant 19 : i32
        %parallel_loop3A_528 = arith.index_cast %parallel_loop3A_527 : i32 to index
        %parallel_loop3A_529 = arith.index_cast %parallel_loop3A_526 : i32 to index
        %parallel_loop3A_530 = tpu.vector_load %arg7[%parallel_loop3A_528, %parallel_loop3A_529] {strides = array<i32>} : memref<24x512xf32, #tpu.memory_space<vmem>>, vector<16xf32>,
        %parallel_loop3A_531 = arith.constant 19 : i32
        %parallel_loop3A_532 = vector.broadcast %parallel_loop3A_531 : i32 to vector<16xi32>
        %parallel_loop3A_533 = arith.addi %parallel_loop3A_353, %parallel_loop3A_532 : vector<16xi32>
        tpu.vector_store_idx %arg10[%parallel_loop3A_533], %parallel_loop3A_530 {add = true} : memref<576xf32, #tpu.memory_space<vmem>>[vector<16xi32>], vector<16xf32>,
        %parallel_loop3A_534 = arith.constant 16 : i32
        %parallel_loop3A_535 = arith.muli %parallel_loop3A_345, %parallel_loop3A_534 : i32
        %parallel_loop3A_536 = arith.constant 20 : i32
        %parallel_loop3A_537 = arith.index_cast %parallel_loop3A_536 : i32 to index
        %parallel_loop3A_538 = arith.index_cast %parallel_loop3A_535 : i32 to index
        %parallel_loop3A_539 = tpu.vector_load %arg7[%parallel_loop3A_537, %parallel_loop3A_538] {strides = array<i32>} : memref<24x512xf32, #tpu.memory_space<vmem>>, vector<16xf32>,
        %parallel_loop3A_540 = arith.constant 20 : i32
        %parallel_loop3A_541 = vector.broadcast %parallel_loop3A_540 : i32 to vector<16xi32>
        %parallel_loop3A_542 = arith.addi %parallel_loop3A_353, %parallel_loop3A_541 : vector<16xi32>
        tpu.vector_store_idx %arg10[%parallel_loop3A_542], %parallel_loop3A_539 {add = true} : memref<576xf32, #tpu.memory_space<vmem>>[vector<16xi32>], vector<16xf32>,
        %parallel_loop3A_543 = arith.constant 16 : i32
        %parallel_loop3A_544 = arith.muli %parallel_loop3A_345, %parallel_loop3A_543 : i32
        %parallel_loop3A_545 = arith.constant 21 : i32
        %parallel_loop3A_546 = arith.index_cast %parallel_loop3A_545 : i32 to index
        %parallel_loop3A_547 = arith.index_cast %parallel_loop3A_544 : i32 to index
        %parallel_loop3A_548 = tpu.vector_load %arg7[%parallel_loop3A_546, %parallel_loop3A_547] {strides = array<i32>} : memref<24x512xf32, #tpu.memory_space<vmem>>, vector<16xf32>,
        %parallel_loop3A_549 = arith.constant 21 : i32
        %parallel_loop3A_550 = vector.broadcast %parallel_loop3A_549 : i32 to vector<16xi32>
        %parallel_loop3A_551 = arith.addi %parallel_loop3A_353, %parallel_loop3A_550 : vector<16xi32>
        tpu.vector_store_idx %arg10[%parallel_loop3A_551], %parallel_loop3A_548 {add = true} : memref<576xf32, #tpu.memory_space<vmem>>[vector<16xi32>], vector<16xf32>,
        %parallel_loop3A_552 = arith.constant 16 : i32
        %parallel_loop3A_553 = arith.muli %parallel_loop3A_345, %parallel_loop3A_552 : i32
        %parallel_loop3A_554 = arith.constant 22 : i32
        %parallel_loop3A_555 = arith.index_cast %parallel_loop3A_554 : i32 to index
        %parallel_loop3A_556 = arith.index_cast %parallel_loop3A_553 : i32 to index
        %parallel_loop3A_557 = tpu.vector_load %arg7[%parallel_loop3A_555, %parallel_loop3A_556] {strides = array<i32>} : memref<24x512xf32, #tpu.memory_space<vmem>>, vector<16xf32>,
        %parallel_loop3A_558 = arith.constant 22 : i32
        %parallel_loop3A_559 = vector.broadcast %parallel_loop3A_558 : i32 to vector<16xi32>
        %parallel_loop3A_560 = arith.addi %parallel_loop3A_353, %parallel_loop3A_559 : vector<16xi32>
        tpu.vector_store_idx %arg10[%parallel_loop3A_560], %parallel_loop3A_557 {add = true} : memref<576xf32, #tpu.memory_space<vmem>>[vector<16xi32>], vector<16xf32>,
        %parallel_loop3A_561 = arith.constant 16 : i32
        %parallel_loop3A_562 = arith.muli %parallel_loop3A_345, %parallel_loop3A_561 : i32
        %parallel_loop3A_563 = arith.constant 23 : i32
        %parallel_loop3A_564 = arith.index_cast %parallel_loop3A_563 : i32 to index
        %parallel_loop3A_565 = arith.index_cast %parallel_loop3A_562 : i32 to index
        %parallel_loop3A_566 = tpu.vector_load %arg7[%parallel_loop3A_564, %parallel_loop3A_565] {strides = array<i32>} : memref<24x512xf32, #tpu.memory_space<vmem>>, vector<16xf32>,
        %parallel_loop3A_567 = arith.constant 23 : i32
        %parallel_loop3A_568 = vector.broadcast %parallel_loop3A_567 : i32 to vector<16xi32>
        %parallel_loop3A_569 = arith.addi %parallel_loop3A_353, %parallel_loop3A_568 : vector<16xi32>
        tpu.vector_store_idx %arg10[%parallel_loop3A_569], %parallel_loop3A_566 {add = true} : memref<576xf32, #tpu.memory_space<vmem>>[vector<16xi32>], vector<16xf32>,
      } {sc.loop_unroll_factor = 1 : i64, sc.parallel_access}
      %add3A_323 = arith.constant 2 : i32
      %add3A_324 = arith.addi %mul3A_314, %add3A_323 : i32
      %lt3A = arith.constant 8 : i32
      %lt3A_325 = arith.cmpi slt, %add3A_324, %lt3A : i32
      %convert_element_type3A = arith.extui %lt3A_325 : i1 to i32
      %cond3A = arith.constant 0 : i32
      %cond3A_326 = arith.cmpi ne, %convert_element_type3A, %cond3A : i32
      scf.if %cond3A_326 {
        %add3A_345 = arith.constant 2 : i32
        %add3A_346 = arith.addi %mul3A_314, %add3A_345 : i32
        %add3A_347 = arith.constant 192 : i32
        %add3A_348 = arith.addi %add3A_347, %add3A_346 : i32
        %mul3A_349 = arith.constant 24 : i32
        %mul3A_350 = arith.muli %add3A_348, %mul3A_349 : i32
        %dma_start3A_351 = tpu.memref_slice %arg3[%mul3A_350, %mul3A_2] : memref<4800x16384xf32, #tpu.memory_space<hbm>> -> memref<24x512xf32, #tpu.memory_space<hbm>>
        %dma_start3A_352 = tpu.memref_slice %arg3[%mul3A_350, %mul3A_2] : memref<4800x16384xf32, #tpu.memory_space<hbm>> -> memref<24x512xf32, #tpu.memory_space<hbm>>
        tpu.enqueue_dma source(%dma_start3A_352 : memref<24x512xf32, #tpu.memory_space<hbm>>) target(%arg7 : memref<24x512xf32, #tpu.memory_space<vmem>>) target_semaphore(%arg13 : memref<!tpu.dma_semaphore, #tpu.memory_space<semaphore_mem>>)
      } else {
      }
      %add3A_327 = arith.constant 1 : i32
      %add3A_328 = arith.addi %mul3A_314, %add3A_327 : i32
      %add3A_329 = arith.constant 192 : i32
      %add3A_330 = arith.addi %add3A_329, %add3A_328 : i32
      %mul3A_331 = arith.constant 24 : i32
      %mul3A_332 = arith.muli %add3A_330, %mul3A_331 : i32
      %dma_wait3A_333 = tpu.memref_slice %arg3[%mul3A_332, %mul3A_2] : memref<4800x16384xf32, #tpu.memory_space<hbm>> -> memref<24x512xf32, #tpu.memory_space<hbm>>
      %dma_wait3A_334 = tpu.memref_slice %arg3[%mul3A_332, %mul3A_2] : memref<4800x16384xf32, #tpu.memory_space<hbm>> -> memref<24x512xf32, #tpu.memory_space<hbm>>
      tpu.wait_dma2 semaphore(%arg14 : memref<!tpu.dma_semaphore, #tpu.memory_space<semaphore_mem>>) src(%dma_wait3A_334 : memref<24x512xf32, #tpu.memory_space<hbm>>) dst(%arg8 : memref<24x512xf32, #tpu.memory_space<vmem>>)
      %parallel_loop3A_335 = arith.constant 0 : i32
      %parallel_loop3A_336 = arith.constant 32 : i32
      %parallel_loop3A_337 = arith.constant 1 : i32
      scf.for %parallel_loop3A_345 = %parallel_loop3A_335 to %parallel_loop3A_336 step %parallel_loop3A_337  : i32 {
        %parallel_loop3A_346 = arith.constant 16 : i32
        %parallel_loop3A_347 = arith.muli %parallel_loop3A_345, %parallel_loop3A_346 : i32
        %parallel_loop3A_348 = arith.index_cast %add3A_328 : i32 to index
        %parallel_loop3A_349 = arith.index_cast %parallel_loop3A_347 : i32 to index
        %parallel_loop3A_350 = tpu.vector_load %arg6[%parallel_loop3A_348, %parallel_loop3A_349] {strides = array<i32>} : memref<8x512xi32, #tpu.memory_space<vmem>>, vector<16xi32>,
        %parallel_loop3A_351 = arith.constant 24 : i32
        %parallel_loop3A_352 = vector.broadcast %parallel_loop3A_351 : i32 to vector<16xi32>
        %parallel_loop3A_353 = arith.muli %parallel_loop3A_350, %parallel_loop3A_352 : vector<16xi32>
        %parallel_loop3A_354 = arith.constant 16 : i32
        %parallel_loop3A_355 = arith.muli %parallel_loop3A_345, %parallel_loop3A_354 : i32
        %parallel_loop3A_356 = arith.constant 0 : i32
        %parallel_loop3A_357 = arith.index_cast %parallel_loop3A_356 : i32 to index
        %parallel_loop3A_358 = arith.index_cast %parallel_loop3A_355 : i32 to index
        %parallel_loop3A_359 = tpu.vector_load %arg8[%parallel_loop3A_357, %parallel_loop3A_358] {strides = array<i32>} : memref<24x512xf32, #tpu.memory_space<vmem>>, vector<16xf32>,
        %parallel_loop3A_360 = arith.constant 0 : i32
        %parallel_loop3A_361 = vector.broadcast %parallel_loop3A_360 : i32 to vector<16xi32>
        %parallel_loop3A_362 = arith.addi %parallel_loop3A_353, %parallel_loop3A_361 : vector<16xi32>
        tpu.vector_store_idx %arg10[%parallel_loop3A_362], %parallel_loop3A_359 {add = true} : memref<576xf32, #tpu.memory_space<vmem>>[vector<16xi32>], vector<16xf32>,
        %parallel_loop3A_363 = arith.constant 16 : i32
        %parallel_loop3A_364 = arith.muli %parallel_loop3A_345, %parallel_loop3A_363 : i32
        %parallel_loop3A_365 = arith.constant 1 : i32
        %parallel_loop3A_366 = arith.index_cast %parallel_loop3A_365 : i32 to index
        %parallel_loop3A_367 = arith.index_cast %parallel_loop3A_364 : i32 to index
        %parallel_loop3A_368 = tpu.vector_load %arg8[%parallel_loop3A_366, %parallel_loop3A_367] {strides = array<i32>} : memref<24x512xf32, #tpu.memory_space<vmem>>, vector<16xf32>,
        %parallel_loop3A_369 = arith.constant 1 : i32
        %parallel_loop3A_370 = vector.broadcast %parallel_loop3A_369 : i32 to vector<16xi32>
        %parallel_loop3A_371 = arith.addi %parallel_loop3A_353, %parallel_loop3A_370 : vector<16xi32>
        tpu.vector_store_idx %arg10[%parallel_loop3A_371], %parallel_loop3A_368 {add = true} : memref<576xf32, #tpu.memory_space<vmem>>[vector<16xi32>], vector<16xf32>,
        %parallel_loop3A_372 = arith.constant 16 : i32
        %parallel_loop3A_373 = arith.muli %parallel_loop3A_345, %parallel_loop3A_372 : i32
        %parallel_loop3A_374 = arith.constant 2 : i32
        %parallel_loop3A_375 = arith.index_cast %parallel_loop3A_374 : i32 to index
        %parallel_loop3A_376 = arith.index_cast %parallel_loop3A_373 : i32 to index
        %parallel_loop3A_377 = tpu.vector_load %arg8[%parallel_loop3A_375, %parallel_loop3A_376] {strides = array<i32>} : memref<24x512xf32, #tpu.memory_space<vmem>>, vector<16xf32>,
        %parallel_loop3A_378 = arith.constant 2 : i32
        %parallel_loop3A_379 = vector.broadcast %parallel_loop3A_378 : i32 to vector<16xi32>
        %parallel_loop3A_380 = arith.addi %parallel_loop3A_353, %parallel_loop3A_379 : vector<16xi32>
        tpu.vector_store_idx %arg10[%parallel_loop3A_380], %parallel_loop3A_377 {add = true} : memref<576xf32, #tpu.memory_space<vmem>>[vector<16xi32>], vector<16xf32>,
        %parallel_loop3A_381 = arith.constant 16 : i32
        %parallel_loop3A_382 = arith.muli %parallel_loop3A_345, %parallel_loop3A_381 : i32
        %parallel_loop3A_383 = arith.constant 3 : i32
        %parallel_loop3A_384 = arith.index_cast %parallel_loop3A_383 : i32 to index
        %parallel_loop3A_385 = arith.index_cast %parallel_loop3A_382 : i32 to index
        %parallel_loop3A_386 = tpu.vector_load %arg8[%parallel_loop3A_384, %parallel_loop3A_385] {strides = array<i32>} : memref<24x512xf32, #tpu.memory_space<vmem>>, vector<16xf32>,
        %parallel_loop3A_387 = arith.constant 3 : i32
        %parallel_loop3A_388 = vector.broadcast %parallel_loop3A_387 : i32 to vector<16xi32>
        %parallel_loop3A_389 = arith.addi %parallel_loop3A_353, %parallel_loop3A_388 : vector<16xi32>
        tpu.vector_store_idx %arg10[%parallel_loop3A_389], %parallel_loop3A_386 {add = true} : memref<576xf32, #tpu.memory_space<vmem>>[vector<16xi32>], vector<16xf32>,
        %parallel_loop3A_390 = arith.constant 16 : i32
        %parallel_loop3A_391 = arith.muli %parallel_loop3A_345, %parallel_loop3A_390 : i32
        %parallel_loop3A_392 = arith.constant 4 : i32
        %parallel_loop3A_393 = arith.index_cast %parallel_loop3A_392 : i32 to index
        %parallel_loop3A_394 = arith.index_cast %parallel_loop3A_391 : i32 to index
        %parallel_loop3A_395 = tpu.vector_load %arg8[%parallel_loop3A_393, %parallel_loop3A_394] {strides = array<i32>} : memref<24x512xf32, #tpu.memory_space<vmem>>, vector<16xf32>,
        %parallel_loop3A_396 = arith.constant 4 : i32
        %parallel_loop3A_397 = vector.broadcast %parallel_loop3A_396 : i32 to vector<16xi32>
        %parallel_loop3A_398 = arith.addi %parallel_loop3A_353, %parallel_loop3A_397 : vector<16xi32>
        tpu.vector_store_idx %arg10[%parallel_loop3A_398], %parallel_loop3A_395 {add = true} : memref<576xf32, #tpu.memory_space<vmem>>[vector<16xi32>], vector<16xf32>,
        %parallel_loop3A_399 = arith.constant 16 : i32
        %parallel_loop3A_400 = arith.muli %parallel_loop3A_345, %parallel_loop3A_399 : i32
        %parallel_loop3A_401 = arith.constant 5 : i32
        %parallel_loop3A_402 = arith.index_cast %parallel_loop3A_401 : i32 to index
        %parallel_loop3A_403 = arith.index_cast %parallel_loop3A_400 : i32 to index
        %parallel_loop3A_404 = tpu.vector_load %arg8[%parallel_loop3A_402, %parallel_loop3A_403] {strides = array<i32>} : memref<24x512xf32, #tpu.memory_space<vmem>>, vector<16xf32>,
        %parallel_loop3A_405 = arith.constant 5 : i32
        %parallel_loop3A_406 = vector.broadcast %parallel_loop3A_405 : i32 to vector<16xi32>
        %parallel_loop3A_407 = arith.addi %parallel_loop3A_353, %parallel_loop3A_406 : vector<16xi32>
        tpu.vector_store_idx %arg10[%parallel_loop3A_407], %parallel_loop3A_404 {add = true} : memref<576xf32, #tpu.memory_space<vmem>>[vector<16xi32>], vector<16xf32>,
        %parallel_loop3A_408 = arith.constant 16 : i32
        %parallel_loop3A_409 = arith.muli %parallel_loop3A_345, %parallel_loop3A_408 : i32
        %parallel_loop3A_410 = arith.constant 6 : i32
        %parallel_loop3A_411 = arith.index_cast %parallel_loop3A_410 : i32 to index
        %parallel_loop3A_412 = arith.index_cast %parallel_loop3A_409 : i32 to index
        %parallel_loop3A_413 = tpu.vector_load %arg8[%parallel_loop3A_411, %parallel_loop3A_412] {strides = array<i32>} : memref<24x512xf32, #tpu.memory_space<vmem>>, vector<16xf32>,
        %parallel_loop3A_414 = arith.constant 6 : i32
        %parallel_loop3A_415 = vector.broadcast %parallel_loop3A_414 : i32 to vector<16xi32>
        %parallel_loop3A_416 = arith.addi %parallel_loop3A_353, %parallel_loop3A_415 : vector<16xi32>
        tpu.vector_store_idx %arg10[%parallel_loop3A_416], %parallel_loop3A_413 {add = true} : memref<576xf32, #tpu.memory_space<vmem>>[vector<16xi32>], vector<16xf32>,
        %parallel_loop3A_417 = arith.constant 16 : i32
        %parallel_loop3A_418 = arith.muli %parallel_loop3A_345, %parallel_loop3A_417 : i32
        %parallel_loop3A_419 = arith.constant 7 : i32
        %parallel_loop3A_420 = arith.index_cast %parallel_loop3A_419 : i32 to index
        %parallel_loop3A_421 = arith.index_cast %parallel_loop3A_418 : i32 to index
        %parallel_loop3A_422 = tpu.vector_load %arg8[%parallel_loop3A_420, %parallel_loop3A_421] {strides = array<i32>} : memref<24x512xf32, #tpu.memory_space<vmem>>, vector<16xf32>,
        %parallel_loop3A_423 = arith.constant 7 : i32
        %parallel_loop3A_424 = vector.broadcast %parallel_loop3A_423 : i32 to vector<16xi32>
        %parallel_loop3A_425 = arith.addi %parallel_loop3A_353, %parallel_loop3A_424 : vector<16xi32>
        tpu.vector_store_idx %arg10[%parallel_loop3A_425], %parallel_loop3A_422 {add = true} : memref<576xf32, #tpu.memory_space<vmem>>[vector<16xi32>], vector<16xf32>,
        %parallel_loop3A_426 = arith.constant 16 : i32
        %parallel_loop3A_427 = arith.muli %parallel_loop3A_345, %parallel_loop3A_426 : i32
        %parallel_loop3A_428 = arith.constant 8 : i32
        %parallel_loop3A_429 = arith.index_cast %parallel_loop3A_428 : i32 to index
        %parallel_loop3A_430 = arith.index_cast %parallel_loop3A_427 : i32 to index
        %parallel_loop3A_431 = tpu.vector_load %arg8[%parallel_loop3A_429, %parallel_loop3A_430] {strides = array<i32>} : memref<24x512xf32, #tpu.memory_space<vmem>>, vector<16xf32>,
        %parallel_loop3A_432 = arith.constant 8 : i32
        %parallel_loop3A_433 = vector.broadcast %parallel_loop3A_432 : i32 to vector<16xi32>
        %parallel_loop3A_434 = arith.addi %parallel_loop3A_353, %parallel_loop3A_433 : vector<16xi32>
        tpu.vector_store_idx %arg10[%parallel_loop3A_434], %parallel_loop3A_431 {add = true} : memref<576xf32, #tpu.memory_space<vmem>>[vector<16xi32>], vector<16xf32>,
        %parallel_loop3A_435 = arith.constant 16 : i32
        %parallel_loop3A_436 = arith.muli %parallel_loop3A_345, %parallel_loop3A_435 : i32
        %parallel_loop3A_437 = arith.constant 9 : i32
        %parallel_loop3A_438 = arith.index_cast %parallel_loop3A_437 : i32 to index
        %parallel_loop3A_439 = arith.index_cast %parallel_loop3A_436 : i32 to index
        %parallel_loop3A_440 = tpu.vector_load %arg8[%parallel_loop3A_438, %parallel_loop3A_439] {strides = array<i32>} : memref<24x512xf32, #tpu.memory_space<vmem>>, vector<16xf32>,
        %parallel_loop3A_441 = arith.constant 9 : i32
        %parallel_loop3A_442 = vector.broadcast %parallel_loop3A_441 : i32 to vector<16xi32>
        %parallel_loop3A_443 = arith.addi %parallel_loop3A_353, %parallel_loop3A_442 : vector<16xi32>
        tpu.vector_store_idx %arg10[%parallel_loop3A_443], %parallel_loop3A_440 {add = true} : memref<576xf32, #tpu.memory_space<vmem>>[vector<16xi32>], vector<16xf32>,
        %parallel_loop3A_444 = arith.constant 16 : i32
        %parallel_loop3A_445 = arith.muli %parallel_loop3A_345, %parallel_loop3A_444 : i32
        %parallel_loop3A_446 = arith.constant 10 : i32
        %parallel_loop3A_447 = arith.index_cast %parallel_loop3A_446 : i32 to index
        %parallel_loop3A_448 = arith.index_cast %parallel_loop3A_445 : i32 to index
        %parallel_loop3A_449 = tpu.vector_load %arg8[%parallel_loop3A_447, %parallel_loop3A_448] {strides = array<i32>} : memref<24x512xf32, #tpu.memory_space<vmem>>, vector<16xf32>,
        %parallel_loop3A_450 = arith.constant 10 : i32
        %parallel_loop3A_451 = vector.broadcast %parallel_loop3A_450 : i32 to vector<16xi32>
        %parallel_loop3A_452 = arith.addi %parallel_loop3A_353, %parallel_loop3A_451 : vector<16xi32>
        tpu.vector_store_idx %arg10[%parallel_loop3A_452], %parallel_loop3A_449 {add = true} : memref<576xf32, #tpu.memory_space<vmem>>[vector<16xi32>], vector<16xf32>,
        %parallel_loop3A_453 = arith.constant 16 : i32
        %parallel_loop3A_454 = arith.muli %parallel_loop3A_345, %parallel_loop3A_453 : i32
        %parallel_loop3A_455 = arith.constant 11 : i32
        %parallel_loop3A_456 = arith.index_cast %parallel_loop3A_455 : i32 to index
        %parallel_loop3A_457 = arith.index_cast %parallel_loop3A_454 : i32 to index
        %parallel_loop3A_458 = tpu.vector_load %arg8[%parallel_loop3A_456, %parallel_loop3A_457] {strides = array<i32>} : memref<24x512xf32, #tpu.memory_space<vmem>>, vector<16xf32>,
        %parallel_loop3A_459 = arith.constant 11 : i32
        %parallel_loop3A_460 = vector.broadcast %parallel_loop3A_459 : i32 to vector<16xi32>
        %parallel_loop3A_461 = arith.addi %parallel_loop3A_353, %parallel_loop3A_460 : vector<16xi32>
        tpu.vector_store_idx %arg10[%parallel_loop3A_461], %parallel_loop3A_458 {add = true} : memref<576xf32, #tpu.memory_space<vmem>>[vector<16xi32>], vector<16xf32>,
        %parallel_loop3A_462 = arith.constant 16 : i32
        %parallel_loop3A_463 = arith.muli %parallel_loop3A_345, %parallel_loop3A_462 : i32
        %parallel_loop3A_464 = arith.constant 12 : i32
        %parallel_loop3A_465 = arith.index_cast %parallel_loop3A_464 : i32 to index
        %parallel_loop3A_466 = arith.index_cast %parallel_loop3A_463 : i32 to index
        %parallel_loop3A_467 = tpu.vector_load %arg8[%parallel_loop3A_465, %parallel_loop3A_466] {strides = array<i32>} : memref<24x512xf32, #tpu.memory_space<vmem>>, vector<16xf32>,
        %parallel_loop3A_468 = arith.constant 12 : i32
        %parallel_loop3A_469 = vector.broadcast %parallel_loop3A_468 : i32 to vector<16xi32>
        %parallel_loop3A_470 = arith.addi %parallel_loop3A_353, %parallel_loop3A_469 : vector<16xi32>
        tpu.vector_store_idx %arg10[%parallel_loop3A_470], %parallel_loop3A_467 {add = true} : memref<576xf32, #tpu.memory_space<vmem>>[vector<16xi32>], vector<16xf32>,
        %parallel_loop3A_471 = arith.constant 16 : i32
        %parallel_loop3A_472 = arith.muli %parallel_loop3A_345, %parallel_loop3A_471 : i32
        %parallel_loop3A_473 = arith.constant 13 : i32
        %parallel_loop3A_474 = arith.index_cast %parallel_loop3A_473 : i32 to index
        %parallel_loop3A_475 = arith.index_cast %parallel_loop3A_472 : i32 to index
        %parallel_loop3A_476 = tpu.vector_load %arg8[%parallel_loop3A_474, %parallel_loop3A_475] {strides = array<i32>} : memref<24x512xf32, #tpu.memory_space<vmem>>, vector<16xf32>,
        %parallel_loop3A_477 = arith.constant 13 : i32
        %parallel_loop3A_478 = vector.broadcast %parallel_loop3A_477 : i32 to vector<16xi32>
        %parallel_loop3A_479 = arith.addi %parallel_loop3A_353, %parallel_loop3A_478 : vector<16xi32>
        tpu.vector_store_idx %arg10[%parallel_loop3A_479], %parallel_loop3A_476 {add = true} : memref<576xf32, #tpu.memory_space<vmem>>[vector<16xi32>], vector<16xf32>,
        %parallel_loop3A_480 = arith.constant 16 : i32
        %parallel_loop3A_481 = arith.muli %parallel_loop3A_345, %parallel_loop3A_480 : i32
        %parallel_loop3A_482 = arith.constant 14 : i32
        %parallel_loop3A_483 = arith.index_cast %parallel_loop3A_482 : i32 to index
        %parallel_loop3A_484 = arith.index_cast %parallel_loop3A_481 : i32 to index
        %parallel_loop3A_485 = tpu.vector_load %arg8[%parallel_loop3A_483, %parallel_loop3A_484] {strides = array<i32>} : memref<24x512xf32, #tpu.memory_space<vmem>>, vector<16xf32>,
        %parallel_loop3A_486 = arith.constant 14 : i32
        %parallel_loop3A_487 = vector.broadcast %parallel_loop3A_486 : i32 to vector<16xi32>
        %parallel_loop3A_488 = arith.addi %parallel_loop3A_353, %parallel_loop3A_487 : vector<16xi32>
        tpu.vector_store_idx %arg10[%parallel_loop3A_488], %parallel_loop3A_485 {add = true} : memref<576xf32, #tpu.memory_space<vmem>>[vector<16xi32>], vector<16xf32>,
        %parallel_loop3A_489 = arith.constant 16 : i32
        %parallel_loop3A_490 = arith.muli %parallel_loop3A_345, %parallel_loop3A_489 : i32
        %parallel_loop3A_491 = arith.constant 15 : i32
        %parallel_loop3A_492 = arith.index_cast %parallel_loop3A_491 : i32 to index
        %parallel_loop3A_493 = arith.index_cast %parallel_loop3A_490 : i32 to index
        %parallel_loop3A_494 = tpu.vector_load %arg8[%parallel_loop3A_492, %parallel_loop3A_493] {strides = array<i32>} : memref<24x512xf32, #tpu.memory_space<vmem>>, vector<16xf32>,
        %parallel_loop3A_495 = arith.constant 15 : i32
        %parallel_loop3A_496 = vector.broadcast %parallel_loop3A_495 : i32 to vector<16xi32>
        %parallel_loop3A_497 = arith.addi %parallel_loop3A_353, %parallel_loop3A_496 : vector<16xi32>
        tpu.vector_store_idx %arg10[%parallel_loop3A_497], %parallel_loop3A_494 {add = true} : memref<576xf32, #tpu.memory_space<vmem>>[vector<16xi32>], vector<16xf32>,
        %parallel_loop3A_498 = arith.constant 16 : i32
        %parallel_loop3A_499 = arith.muli %parallel_loop3A_345, %parallel_loop3A_498 : i32
        %parallel_loop3A_500 = arith.constant 16 : i32
        %parallel_loop3A_501 = arith.index_cast %parallel_loop3A_500 : i32 to index
        %parallel_loop3A_502 = arith.index_cast %parallel_loop3A_499 : i32 to index
        %parallel_loop3A_503 = tpu.vector_load %arg8[%parallel_loop3A_501, %parallel_loop3A_502] {strides = array<i32>} : memref<24x512xf32, #tpu.memory_space<vmem>>, vector<16xf32>,
        %parallel_loop3A_504 = arith.constant 16 : i32
        %parallel_loop3A_505 = vector.broadcast %parallel_loop3A_504 : i32 to vector<16xi32>
        %parallel_loop3A_506 = arith.addi %parallel_loop3A_353, %parallel_loop3A_505 : vector<16xi32>
        tpu.vector_store_idx %arg10[%parallel_loop3A_506], %parallel_loop3A_503 {add = true} : memref<576xf32, #tpu.memory_space<vmem>>[vector<16xi32>], vector<16xf32>,
        %parallel_loop3A_507 = arith.constant 16 : i32
        %parallel_loop3A_508 = arith.muli %parallel_loop3A_345, %parallel_loop3A_507 : i32
        %parallel_loop3A_509 = arith.constant 17 : i32
        %parallel_loop3A_510 = arith.index_cast %parallel_loop3A_509 : i32 to index
        %parallel_loop3A_511 = arith.index_cast %parallel_loop3A_508 : i32 to index
        %parallel_loop3A_512 = tpu.vector_load %arg8[%parallel_loop3A_510, %parallel_loop3A_511] {strides = array<i32>} : memref<24x512xf32, #tpu.memory_space<vmem>>, vector<16xf32>,
        %parallel_loop3A_513 = arith.constant 17 : i32
        %parallel_loop3A_514 = vector.broadcast %parallel_loop3A_513 : i32 to vector<16xi32>
        %parallel_loop3A_515 = arith.addi %parallel_loop3A_353, %parallel_loop3A_514 : vector<16xi32>
        tpu.vector_store_idx %arg10[%parallel_loop3A_515], %parallel_loop3A_512 {add = true} : memref<576xf32, #tpu.memory_space<vmem>>[vector<16xi32>], vector<16xf32>,
        %parallel_loop3A_516 = arith.constant 16 : i32
        %parallel_loop3A_517 = arith.muli %parallel_loop3A_345, %parallel_loop3A_516 : i32
        %parallel_loop3A_518 = arith.constant 18 : i32
        %parallel_loop3A_519 = arith.index_cast %parallel_loop3A_518 : i32 to index
        %parallel_loop3A_520 = arith.index_cast %parallel_loop3A_517 : i32 to index
        %parallel_loop3A_521 = tpu.vector_load %arg8[%parallel_loop3A_519, %parallel_loop3A_520] {strides = array<i32>} : memref<24x512xf32, #tpu.memory_space<vmem>>, vector<16xf32>,
        %parallel_loop3A_522 = arith.constant 18 : i32
        %parallel_loop3A_523 = vector.broadcast %parallel_loop3A_522 : i32 to vector<16xi32>
        %parallel_loop3A_524 = arith.addi %parallel_loop3A_353, %parallel_loop3A_523 : vector<16xi32>
        tpu.vector_store_idx %arg10[%parallel_loop3A_524], %parallel_loop3A_521 {add = true} : memref<576xf32, #tpu.memory_space<vmem>>[vector<16xi32>], vector<16xf32>,
        %parallel_loop3A_525 = arith.constant 16 : i32
        %parallel_loop3A_526 = arith.muli %parallel_loop3A_345, %parallel_loop3A_525 : i32
        %parallel_loop3A_527 = arith.constant 19 : i32
        %parallel_loop3A_528 = arith.index_cast %parallel_loop3A_527 : i32 to index
        %parallel_loop3A_529 = arith.index_cast %parallel_loop3A_526 : i32 to index
        %parallel_loop3A_530 = tpu.vector_load %arg8[%parallel_loop3A_528, %parallel_loop3A_529] {strides = array<i32>} : memref<24x512xf32, #tpu.memory_space<vmem>>, vector<16xf32>,
        %parallel_loop3A_531 = arith.constant 19 : i32
        %parallel_loop3A_532 = vector.broadcast %parallel_loop3A_531 : i32 to vector<16xi32>
        %parallel_loop3A_533 = arith.addi %parallel_loop3A_353, %parallel_loop3A_532 : vector<16xi32>
        tpu.vector_store_idx %arg10[%parallel_loop3A_533], %parallel_loop3A_530 {add = true} : memref<576xf32, #tpu.memory_space<vmem>>[vector<16xi32>], vector<16xf32>,
        %parallel_loop3A_534 = arith.constant 16 : i32
        %parallel_loop3A_535 = arith.muli %parallel_loop3A_345, %parallel_loop3A_534 : i32
        %parallel_loop3A_536 = arith.constant 20 : i32
        %parallel_loop3A_537 = arith.index_cast %parallel_loop3A_536 : i32 to index
        %parallel_loop3A_538 = arith.index_cast %parallel_loop3A_535 : i32 to index
        %parallel_loop3A_539 = tpu.vector_load %arg8[%parallel_loop3A_537, %parallel_loop3A_538] {strides = array<i32>} : memref<24x512xf32, #tpu.memory_space<vmem>>, vector<16xf32>,
        %parallel_loop3A_540 = arith.constant 20 : i32
        %parallel_loop3A_541 = vector.broadcast %parallel_loop3A_540 : i32 to vector<16xi32>
        %parallel_loop3A_542 = arith.addi %parallel_loop3A_353, %parallel_loop3A_541 : vector<16xi32>
        tpu.vector_store_idx %arg10[%parallel_loop3A_542], %parallel_loop3A_539 {add = true} : memref<576xf32, #tpu.memory_space<vmem>>[vector<16xi32>], vector<16xf32>,
        %parallel_loop3A_543 = arith.constant 16 : i32
        %parallel_loop3A_544 = arith.muli %parallel_loop3A_345, %parallel_loop3A_543 : i32
        %parallel_loop3A_545 = arith.constant 21 : i32
        %parallel_loop3A_546 = arith.index_cast %parallel_loop3A_545 : i32 to index
        %parallel_loop3A_547 = arith.index_cast %parallel_loop3A_544 : i32 to index
        %parallel_loop3A_548 = tpu.vector_load %arg8[%parallel_loop3A_546, %parallel_loop3A_547] {strides = array<i32>} : memref<24x512xf32, #tpu.memory_space<vmem>>, vector<16xf32>,
        %parallel_loop3A_549 = arith.constant 21 : i32
        %parallel_loop3A_550 = vector.broadcast %parallel_loop3A_549 : i32 to vector<16xi32>
        %parallel_loop3A_551 = arith.addi %parallel_loop3A_353, %parallel_loop3A_550 : vector<16xi32>
        tpu.vector_store_idx %arg10[%parallel_loop3A_551], %parallel_loop3A_548 {add = true} : memref<576xf32, #tpu.memory_space<vmem>>[vector<16xi32>], vector<16xf32>,
        %parallel_loop3A_552 = arith.constant 16 : i32
        %parallel_loop3A_553 = arith.muli %parallel_loop3A_345, %parallel_loop3A_552 : i32
        %parallel_loop3A_554 = arith.constant 22 : i32
        %parallel_loop3A_555 = arith.index_cast %parallel_loop3A_554 : i32 to index
        %parallel_loop3A_556 = arith.index_cast %parallel_loop3A_553 : i32 to index
        %parallel_loop3A_557 = tpu.vector_load %arg8[%parallel_loop3A_555, %parallel_loop3A_556] {strides = array<i32>} : memref<24x512xf32, #tpu.memory_space<vmem>>, vector<16xf32>,
        %parallel_loop3A_558 = arith.constant 22 : i32
        %parallel_loop3A_559 = vector.broadcast %parallel_loop3A_558 : i32 to vector<16xi32>
        %parallel_loop3A_560 = arith.addi %parallel_loop3A_353, %parallel_loop3A_559 : vector<16xi32>
        tpu.vector_store_idx %arg10[%parallel_loop3A_560], %parallel_loop3A_557 {add = true} : memref<576xf32, #tpu.memory_space<vmem>>[vector<16xi32>], vector<16xf32>,
        %parallel_loop3A_561 = arith.constant 16 : i32
        %parallel_loop3A_562 = arith.muli %parallel_loop3A_345, %parallel_loop3A_561 : i32
        %parallel_loop3A_563 = arith.constant 23 : i32
        %parallel_loop3A_564 = arith.index_cast %parallel_loop3A_563 : i32 to index
        %parallel_loop3A_565 = arith.index_cast %parallel_loop3A_562 : i32 to index
        %parallel_loop3A_566 = tpu.vector_load %arg8[%parallel_loop3A_564, %parallel_loop3A_565] {strides = array<i32>} : memref<24x512xf32, #tpu.memory_space<vmem>>, vector<16xf32>,
        %parallel_loop3A_567 = arith.constant 23 : i32
        %parallel_loop3A_568 = vector.broadcast %parallel_loop3A_567 : i32 to vector<16xi32>
        %parallel_loop3A_569 = arith.addi %parallel_loop3A_353, %parallel_loop3A_568 : vector<16xi32>
        tpu.vector_store_idx %arg10[%parallel_loop3A_569], %parallel_loop3A_566 {add = true} : memref<576xf32, #tpu.memory_space<vmem>>[vector<16xi32>], vector<16xf32>,
      } {sc.loop_unroll_factor = 1 : i64, sc.parallel_access}
      %add3A_338 = arith.constant 3 : i32
      %add3A_339 = arith.addi %mul3A_314, %add3A_338 : i32
      %lt3A_340 = arith.constant 8 : i32
      %lt3A_341 = arith.cmpi slt, %add3A_339, %lt3A_340 : i32
      %convert_element_type3A_342 = arith.extui %lt3A_341 : i1 to i32
      %cond3A_343 = arith.constant 0 : i32
      %cond3A_344 = arith.cmpi ne, %convert_element_type3A_342, %cond3A_343 : i32
      scf.if %cond3A_344 {
        %add3A_345 = arith.constant 3 : i32
        %add3A_346 = arith.addi %mul3A_314, %add3A_345 : i32
        %add3A_347 = arith.constant 192 : i32
        %add3A_348 = arith.addi %add3A_347, %add3A_346 : i32
        %mul3A_349 = arith.constant 24 : i32
        %mul3A_350 = arith.muli %add3A_348, %mul3A_349 : i32
        %dma_start3A_351 = tpu.memref_slice %arg3[%mul3A_350, %mul3A_2] : memref<4800x16384xf32, #tpu.memory_space<hbm>> -> memref<24x512xf32, #tpu.memory_space<hbm>>
        %dma_start3A_352 = tpu.memref_slice %arg3[%mul3A_350, %mul3A_2] : memref<4800x16384xf32, #tpu.memory_space<hbm>> -> memref<24x512xf32, #tpu.memory_space<hbm>>
        tpu.enqueue_dma source(%dma_start3A_352 : memref<24x512xf32, #tpu.memory_space<hbm>>) target(%arg8 : memref<24x512xf32, #tpu.memory_space<vmem>>) target_semaphore(%arg14 : memref<!tpu.dma_semaphore, #tpu.memory_space<semaphore_mem>>)
      } else {
      }
    }
    %scan3A_93 = arith.constant 4 : i32
    %get3A = arith.constant 0 : index
    %get3A_94 = tpu.vector_load %arg10[%get3A] {strides = array<i32>} : memref<576xf32, #tpu.memory_space<vmem>>, vector<16xf32>,
    %get3A_95 = arith.constant 0 : index
    %get3A_96 = tpu.vector_load %arg9[%get3A_95] {strides = array<i32>} : memref<576xf32, #tpu.memory_space<vmem>>, vector<16xf32>,
    %mul3A_97 = arith.mulf %get3A_94, %get3A_96 : vector<16xf32>
    %add3A_98 = arith.addf %broadcast_in_dim3A_14, %mul3A_97 : vector<16xf32>
    %get3A_99 = arith.constant 16 : index
    %get3A_100 = tpu.vector_load %arg10[%get3A_99] {strides = array<i32>} : memref<576xf32, #tpu.memory_space<vmem>>, vector<16xf32>,
    %get3A_101 = arith.constant 16 : index
    %get3A_102 = tpu.vector_load %arg9[%get3A_101] {strides = array<i32>} : memref<576xf32, #tpu.memory_space<vmem>>, vector<16xf32>,
    %mul3A_103 = arith.mulf %get3A_100, %get3A_102 : vector<16xf32>
    %add3A_104 = arith.addf %broadcast_in_dim3A_14, %mul3A_103 : vector<16xf32>
    %get3A_105 = arith.constant 32 : index
    %get3A_106 = tpu.vector_load %arg10[%get3A_105] {strides = array<i32>} : memref<576xf32, #tpu.memory_space<vmem>>, vector<16xf32>,
    %get3A_107 = arith.constant 32 : index
    %get3A_108 = tpu.vector_load %arg9[%get3A_107] {strides = array<i32>} : memref<576xf32, #tpu.memory_space<vmem>>, vector<16xf32>,
    %mul3A_109 = arith.mulf %get3A_106, %get3A_108 : vector<16xf32>
    %add3A_110 = arith.addf %add3A_98, %mul3A_109 : vector<16xf32>
    %get3A_111 = arith.constant 48 : index
    %get3A_112 = tpu.vector_load %arg10[%get3A_111] {strides = array<i32>} : memref<576xf32, #tpu.memory_space<vmem>>, vector<16xf32>,
    %get3A_113 = arith.constant 48 : index
    %get3A_114 = tpu.vector_load %arg9[%get3A_113] {strides = array<i32>} : memref<576xf32, #tpu.memory_space<vmem>>, vector<16xf32>,
    %mul3A_115 = arith.mulf %get3A_112, %get3A_114 : vector<16xf32>
    %add3A_116 = arith.addf %add3A_104, %mul3A_115 : vector<16xf32>
    %get3A_117 = arith.constant 64 : index
    %get3A_118 = tpu.vector_load %arg10[%get3A_117] {strides = array<i32>} : memref<576xf32, #tpu.memory_space<vmem>>, vector<16xf32>,
    %get3A_119 = arith.constant 64 : index
    %get3A_120 = tpu.vector_load %arg9[%get3A_119] {strides = array<i32>} : memref<576xf32, #tpu.memory_space<vmem>>, vector<16xf32>,
    %mul3A_121 = arith.mulf %get3A_118, %get3A_120 : vector<16xf32>
    %add3A_122 = arith.addf %add3A_110, %mul3A_121 : vector<16xf32>
    %get3A_123 = arith.constant 80 : index
    %get3A_124 = tpu.vector_load %arg10[%get3A_123] {strides = array<i32>} : memref<576xf32, #tpu.memory_space<vmem>>, vector<16xf32>,
    %get3A_125 = arith.constant 80 : index
    %get3A_126 = tpu.vector_load %arg9[%get3A_125] {strides = array<i32>} : memref<576xf32, #tpu.memory_space<vmem>>, vector<16xf32>,
    %mul3A_127 = arith.mulf %get3A_124, %get3A_126 : vector<16xf32>
    %add3A_128 = arith.addf %add3A_116, %mul3A_127 : vector<16xf32>
    %get3A_129 = arith.constant 96 : index
    %get3A_130 = tpu.vector_load %arg10[%get3A_129] {strides = array<i32>} : memref<576xf32, #tpu.memory_space<vmem>>, vector<16xf32>,
    %get3A_131 = arith.constant 96 : index
    %get3A_132 = tpu.vector_load %arg9[%get3A_131] {strides = array<i32>} : memref<576xf32, #tpu.memory_space<vmem>>, vector<16xf32>,
    %mul3A_133 = arith.mulf %get3A_130, %get3A_132 : vector<16xf32>
    %add3A_134 = arith.addf %add3A_122, %mul3A_133 : vector<16xf32>
    %get3A_135 = arith.constant 112 : index
    %get3A_136 = tpu.vector_load %arg10[%get3A_135] {strides = array<i32>} : memref<576xf32, #tpu.memory_space<vmem>>, vector<16xf32>,
    %get3A_137 = arith.constant 112 : index
    %get3A_138 = tpu.vector_load %arg9[%get3A_137] {strides = array<i32>} : memref<576xf32, #tpu.memory_space<vmem>>, vector<16xf32>,
    %mul3A_139 = arith.mulf %get3A_136, %get3A_138 : vector<16xf32>
    %add3A_140 = arith.addf %add3A_128, %mul3A_139 : vector<16xf32>
    %get3A_141 = arith.constant 128 : index
    %get3A_142 = tpu.vector_load %arg10[%get3A_141] {strides = array<i32>} : memref<576xf32, #tpu.memory_space<vmem>>, vector<16xf32>,
    %get3A_143 = arith.constant 128 : index
    %get3A_144 = tpu.vector_load %arg9[%get3A_143] {strides = array<i32>} : memref<576xf32, #tpu.memory_space<vmem>>, vector<16xf32>,
    %mul3A_145 = arith.mulf %get3A_142, %get3A_144 : vector<16xf32>
    %add3A_146 = arith.addf %add3A_134, %mul3A_145 : vector<16xf32>
    %get3A_147 = arith.constant 144 : index
    %get3A_148 = tpu.vector_load %arg10[%get3A_147] {strides = array<i32>} : memref<576xf32, #tpu.memory_space<vmem>>, vector<16xf32>,
    %get3A_149 = arith.constant 144 : index
    %get3A_150 = tpu.vector_load %arg9[%get3A_149] {strides = array<i32>} : memref<576xf32, #tpu.memory_space<vmem>>, vector<16xf32>,
    %mul3A_151 = arith.mulf %get3A_148, %get3A_150 : vector<16xf32>
    %add3A_152 = arith.addf %add3A_140, %mul3A_151 : vector<16xf32>
    %get3A_153 = arith.constant 160 : index
    %get3A_154 = tpu.vector_load %arg10[%get3A_153] {strides = array<i32>} : memref<576xf32, #tpu.memory_space<vmem>>, vector<16xf32>,
    %get3A_155 = arith.constant 160 : index
    %get3A_156 = tpu.vector_load %arg9[%get3A_155] {strides = array<i32>} : memref<576xf32, #tpu.memory_space<vmem>>, vector<16xf32>,
    %mul3A_157 = arith.mulf %get3A_154, %get3A_156 : vector<16xf32>
    %add3A_158 = arith.addf %add3A_146, %mul3A_157 : vector<16xf32>
    %get3A_159 = arith.constant 176 : index
    %get3A_160 = tpu.vector_load %arg10[%get3A_159] {strides = array<i32>} : memref<576xf32, #tpu.memory_space<vmem>>, vector<16xf32>,
    %get3A_161 = arith.constant 176 : index
    %get3A_162 = tpu.vector_load %arg9[%get3A_161] {strides = array<i32>} : memref<576xf32, #tpu.memory_space<vmem>>, vector<16xf32>,
    %mul3A_163 = arith.mulf %get3A_160, %get3A_162 : vector<16xf32>
    %add3A_164 = arith.addf %add3A_152, %mul3A_163 : vector<16xf32>
    %get3A_165 = arith.constant 192 : index
    %get3A_166 = tpu.vector_load %arg10[%get3A_165] {strides = array<i32>} : memref<576xf32, #tpu.memory_space<vmem>>, vector<16xf32>,
    %get3A_167 = arith.constant 192 : index
    %get3A_168 = tpu.vector_load %arg9[%get3A_167] {strides = array<i32>} : memref<576xf32, #tpu.memory_space<vmem>>, vector<16xf32>,
    %mul3A_169 = arith.mulf %get3A_166, %get3A_168 : vector<16xf32>
    %add3A_170 = arith.addf %add3A_158, %mul3A_169 : vector<16xf32>
    %get3A_171 = arith.constant 208 : index
    %get3A_172 = tpu.vector_load %arg10[%get3A_171] {strides = array<i32>} : memref<576xf32, #tpu.memory_space<vmem>>, vector<16xf32>,
    %get3A_173 = arith.constant 208 : index
    %get3A_174 = tpu.vector_load %arg9[%get3A_173] {strides = array<i32>} : memref<576xf32, #tpu.memory_space<vmem>>, vector<16xf32>,
    %mul3A_175 = arith.mulf %get3A_172, %get3A_174 : vector<16xf32>
    %add3A_176 = arith.addf %add3A_164, %mul3A_175 : vector<16xf32>
    %get3A_177 = arith.constant 224 : index
    %get3A_178 = tpu.vector_load %arg10[%get3A_177] {strides = array<i32>} : memref<576xf32, #tpu.memory_space<vmem>>, vector<16xf32>,
    %get3A_179 = arith.constant 224 : index
    %get3A_180 = tpu.vector_load %arg9[%get3A_179] {strides = array<i32>} : memref<576xf32, #tpu.memory_space<vmem>>, vector<16xf32>,
    %mul3A_181 = arith.mulf %get3A_178, %get3A_180 : vector<16xf32>
    %add3A_182 = arith.addf %add3A_170, %mul3A_181 : vector<16xf32>
    %get3A_183 = arith.constant 240 : index
    %get3A_184 = tpu.vector_load %arg10[%get3A_183] {strides = array<i32>} : memref<576xf32, #tpu.memory_space<vmem>>, vector<16xf32>,
    %get3A_185 = arith.constant 240 : index
    %get3A_186 = tpu.vector_load %arg9[%get3A_185] {strides = array<i32>} : memref<576xf32, #tpu.memory_space<vmem>>, vector<16xf32>,
    %mul3A_187 = arith.mulf %get3A_184, %get3A_186 : vector<16xf32>
    %add3A_188 = arith.addf %add3A_176, %mul3A_187 : vector<16xf32>
    %get3A_189 = arith.constant 256 : index
    %get3A_190 = tpu.vector_load %arg10[%get3A_189] {strides = array<i32>} : memref<576xf32, #tpu.memory_space<vmem>>, vector<16xf32>,
    %get3A_191 = arith.constant 256 : index
    %get3A_192 = tpu.vector_load %arg9[%get3A_191] {strides = array<i32>} : memref<576xf32, #tpu.memory_space<vmem>>, vector<16xf32>,
    %mul3A_193 = arith.mulf %get3A_190, %get3A_192 : vector<16xf32>
    %add3A_194 = arith.addf %add3A_182, %mul3A_193 : vector<16xf32>
    %get3A_195 = arith.constant 272 : index
    %get3A_196 = tpu.vector_load %arg10[%get3A_195] {strides = array<i32>} : memref<576xf32, #tpu.memory_space<vmem>>, vector<16xf32>,
    %get3A_197 = arith.constant 272 : index
    %get3A_198 = tpu.vector_load %arg9[%get3A_197] {strides = array<i32>} : memref<576xf32, #tpu.memory_space<vmem>>, vector<16xf32>,
    %mul3A_199 = arith.mulf %get3A_196, %get3A_198 : vector<16xf32>
    %add3A_200 = arith.addf %add3A_188, %mul3A_199 : vector<16xf32>
    %get3A_201 = arith.constant 288 : index
    %get3A_202 = tpu.vector_load %arg10[%get3A_201] {strides = array<i32>} : memref<576xf32, #tpu.memory_space<vmem>>, vector<16xf32>,
    %get3A_203 = arith.constant 288 : index
    %get3A_204 = tpu.vector_load %arg9[%get3A_203] {strides = array<i32>} : memref<576xf32, #tpu.memory_space<vmem>>, vector<16xf32>,
    %mul3A_205 = arith.mulf %get3A_202, %get3A_204 : vector<16xf32>
    %add3A_206 = arith.addf %add3A_194, %mul3A_205 : vector<16xf32>
    %get3A_207 = arith.constant 304 : index
    %get3A_208 = tpu.vector_load %arg10[%get3A_207] {strides = array<i32>} : memref<576xf32, #tpu.memory_space<vmem>>, vector<16xf32>,
    %get3A_209 = arith.constant 304 : index
    %get3A_210 = tpu.vector_load %arg9[%get3A_209] {strides = array<i32>} : memref<576xf32, #tpu.memory_space<vmem>>, vector<16xf32>,
    %mul3A_211 = arith.mulf %get3A_208, %get3A_210 : vector<16xf32>
    %add3A_212 = arith.addf %add3A_200, %mul3A_211 : vector<16xf32>
    %get3A_213 = arith.constant 320 : index
    %get3A_214 = tpu.vector_load %arg10[%get3A_213] {strides = array<i32>} : memref<576xf32, #tpu.memory_space<vmem>>, vector<16xf32>,
    %get3A_215 = arith.constant 320 : index
    %get3A_216 = tpu.vector_load %arg9[%get3A_215] {strides = array<i32>} : memref<576xf32, #tpu.memory_space<vmem>>, vector<16xf32>,
    %mul3A_217 = arith.mulf %get3A_214, %get3A_216 : vector<16xf32>
    %add3A_218 = arith.addf %add3A_206, %mul3A_217 : vector<16xf32>
    %get3A_219 = arith.constant 336 : index
    %get3A_220 = tpu.vector_load %arg10[%get3A_219] {strides = array<i32>} : memref<576xf32, #tpu.memory_space<vmem>>, vector<16xf32>,
    %get3A_221 = arith.constant 336 : index
    %get3A_222 = tpu.vector_load %arg9[%get3A_221] {strides = array<i32>} : memref<576xf32, #tpu.memory_space<vmem>>, vector<16xf32>,
    %mul3A_223 = arith.mulf %get3A_220, %get3A_222 : vector<16xf32>
    %add3A_224 = arith.addf %add3A_212, %mul3A_223 : vector<16xf32>
    %get3A_225 = arith.constant 352 : index
    %get3A_226 = tpu.vector_load %arg10[%get3A_225] {strides = array<i32>} : memref<576xf32, #tpu.memory_space<vmem>>, vector<16xf32>,
    %get3A_227 = arith.constant 352 : index
    %get3A_228 = tpu.vector_load %arg9[%get3A_227] {strides = array<i32>} : memref<576xf32, #tpu.memory_space<vmem>>, vector<16xf32>,
    %mul3A_229 = arith.mulf %get3A_226, %get3A_228 : vector<16xf32>
    %add3A_230 = arith.addf %add3A_218, %mul3A_229 : vector<16xf32>
    %get3A_231 = arith.constant 368 : index
    %get3A_232 = tpu.vector_load %arg10[%get3A_231] {strides = array<i32>} : memref<576xf32, #tpu.memory_space<vmem>>, vector<16xf32>,
    %get3A_233 = arith.constant 368 : index
    %get3A_234 = tpu.vector_load %arg9[%get3A_233] {strides = array<i32>} : memref<576xf32, #tpu.memory_space<vmem>>, vector<16xf32>,
    %mul3A_235 = arith.mulf %get3A_232, %get3A_234 : vector<16xf32>
    %add3A_236 = arith.addf %add3A_224, %mul3A_235 : vector<16xf32>
    %get3A_237 = arith.constant 384 : index
    %get3A_238 = tpu.vector_load %arg10[%get3A_237] {strides = array<i32>} : memref<576xf32, #tpu.memory_space<vmem>>, vector<16xf32>,
    %get3A_239 = arith.constant 384 : index
    %get3A_240 = tpu.vector_load %arg9[%get3A_239] {strides = array<i32>} : memref<576xf32, #tpu.memory_space<vmem>>, vector<16xf32>,
    %mul3A_241 = arith.mulf %get3A_238, %get3A_240 : vector<16xf32>
    %add3A_242 = arith.addf %add3A_230, %mul3A_241 : vector<16xf32>
    %get3A_243 = arith.constant 400 : index
    %get3A_244 = tpu.vector_load %arg10[%get3A_243] {strides = array<i32>} : memref<576xf32, #tpu.memory_space<vmem>>, vector<16xf32>,
    %get3A_245 = arith.constant 400 : index
    %get3A_246 = tpu.vector_load %arg9[%get3A_245] {strides = array<i32>} : memref<576xf32, #tpu.memory_space<vmem>>, vector<16xf32>,
    %mul3A_247 = arith.mulf %get3A_244, %get3A_246 : vector<16xf32>
    %add3A_248 = arith.addf %add3A_236, %mul3A_247 : vector<16xf32>
    %get3A_249 = arith.constant 416 : index
    %get3A_250 = tpu.vector_load %arg10[%get3A_249] {strides = array<i32>} : memref<576xf32, #tpu.memory_space<vmem>>, vector<16xf32>,
    %get3A_251 = arith.constant 416 : index
    %get3A_252 = tpu.vector_load %arg9[%get3A_251] {strides = array<i32>} : memref<576xf32, #tpu.memory_space<vmem>>, vector<16xf32>,
    %mul3A_253 = arith.mulf %get3A_250, %get3A_252 : vector<16xf32>
    %add3A_254 = arith.addf %add3A_242, %mul3A_253 : vector<16xf32>
    %get3A_255 = arith.constant 432 : index
    %get3A_256 = tpu.vector_load %arg10[%get3A_255] {strides = array<i32>} : memref<576xf32, #tpu.memory_space<vmem>>, vector<16xf32>,
    %get3A_257 = arith.constant 432 : index
    %get3A_258 = tpu.vector_load %arg9[%get3A_257] {strides = array<i32>} : memref<576xf32, #tpu.memory_space<vmem>>, vector<16xf32>,
    %mul3A_259 = arith.mulf %get3A_256, %get3A_258 : vector<16xf32>
    %add3A_260 = arith.addf %add3A_248, %mul3A_259 : vector<16xf32>
    %get3A_261 = arith.constant 448 : index
    %get3A_262 = tpu.vector_load %arg10[%get3A_261] {strides = array<i32>} : memref<576xf32, #tpu.memory_space<vmem>>, vector<16xf32>,
    %get3A_263 = arith.constant 448 : index
    %get3A_264 = tpu.vector_load %arg9[%get3A_263] {strides = array<i32>} : memref<576xf32, #tpu.memory_space<vmem>>, vector<16xf32>,
    %mul3A_265 = arith.mulf %get3A_262, %get3A_264 : vector<16xf32>
    %add3A_266 = arith.addf %add3A_254, %mul3A_265 : vector<16xf32>
    %get3A_267 = arith.constant 464 : index
    %get3A_268 = tpu.vector_load %arg10[%get3A_267] {strides = array<i32>} : memref<576xf32, #tpu.memory_space<vmem>>, vector<16xf32>,
    %get3A_269 = arith.constant 464 : index
    %get3A_270 = tpu.vector_load %arg9[%get3A_269] {strides = array<i32>} : memref<576xf32, #tpu.memory_space<vmem>>, vector<16xf32>,
    %mul3A_271 = arith.mulf %get3A_268, %get3A_270 : vector<16xf32>
    %add3A_272 = arith.addf %add3A_260, %mul3A_271 : vector<16xf32>
    %get3A_273 = arith.constant 480 : index
    %get3A_274 = tpu.vector_load %arg10[%get3A_273] {strides = array<i32>} : memref<576xf32, #tpu.memory_space<vmem>>, vector<16xf32>,
    %get3A_275 = arith.constant 480 : index
    %get3A_276 = tpu.vector_load %arg9[%get3A_275] {strides = array<i32>} : memref<576xf32, #tpu.memory_space<vmem>>, vector<16xf32>,
    %mul3A_277 = arith.mulf %get3A_274, %get3A_276 : vector<16xf32>
    %add3A_278 = arith.addf %add3A_266, %mul3A_277 : vector<16xf32>
    %get3A_279 = arith.constant 496 : index
    %get3A_280 = tpu.vector_load %arg10[%get3A_279] {strides = array<i32>} : memref<576xf32, #tpu.memory_space<vmem>>, vector<16xf32>,
    %get3A_281 = arith.constant 496 : index
    %get3A_282 = tpu.vector_load %arg9[%get3A_281] {strides = array<i32>} : memref<576xf32, #tpu.memory_space<vmem>>, vector<16xf32>,
    %mul3A_283 = arith.mulf %get3A_280, %get3A_282 : vector<16xf32>
    %add3A_284 = arith.addf %add3A_272, %mul3A_283 : vector<16xf32>
    %get3A_285 = arith.constant 512 : index
    %get3A_286 = tpu.vector_load %arg10[%get3A_285] {strides = array<i32>} : memref<576xf32, #tpu.memory_space<vmem>>, vector<16xf32>,
    %get3A_287 = arith.constant 512 : index
    %get3A_288 = tpu.vector_load %arg9[%get3A_287] {strides = array<i32>} : memref<576xf32, #tpu.memory_space<vmem>>, vector<16xf32>,
    %mul3A_289 = arith.mulf %get3A_286, %get3A_288 : vector<16xf32>
    %add3A_290 = arith.addf %add3A_278, %mul3A_289 : vector<16xf32>
    %get3A_291 = arith.constant 528 : index
    %get3A_292 = tpu.vector_load %arg10[%get3A_291] {strides = array<i32>} : memref<576xf32, #tpu.memory_space<vmem>>, vector<16xf32>,
    %get3A_293 = arith.constant 528 : index
    %get3A_294 = tpu.vector_load %arg9[%get3A_293] {strides = array<i32>} : memref<576xf32, #tpu.memory_space<vmem>>, vector<16xf32>,
    %mul3A_295 = arith.mulf %get3A_292, %get3A_294 : vector<16xf32>
    %add3A_296 = arith.addf %add3A_284, %mul3A_295 : vector<16xf32>
    %get3A_297 = arith.constant 544 : index
    %get3A_298 = tpu.vector_load %arg10[%get3A_297] {strides = array<i32>} : memref<576xf32, #tpu.memory_space<vmem>>, vector<16xf32>,
    %get3A_299 = arith.constant 544 : index
    %get3A_300 = tpu.vector_load %arg9[%get3A_299] {strides = array<i32>} : memref<576xf32, #tpu.memory_space<vmem>>, vector<16xf32>,
    %mul3A_301 = arith.mulf %get3A_298, %get3A_300 : vector<16xf32>
    %add3A_302 = arith.addf %add3A_290, %mul3A_301 : vector<16xf32>
    %get3A_303 = arith.constant 560 : index
    %get3A_304 = tpu.vector_load %arg10[%get3A_303] {strides = array<i32>} : memref<576xf32, #tpu.memory_space<vmem>>, vector<16xf32>,
    %get3A_305 = arith.constant 560 : index
    %get3A_306 = tpu.vector_load %arg9[%get3A_305] {strides = array<i32>} : memref<576xf32, #tpu.memory_space<vmem>>, vector<16xf32>,
    %mul3A_307 = arith.mulf %get3A_304, %get3A_306 : vector<16xf32>
    %add3A_308 = arith.addf %add3A_296, %mul3A_307 : vector<16xf32>
    %add3A_309 = arith.addf %add3A_302, %add3A_308 : vector<16xf32>
    %swap3A_310 = arith.constant 0 : index
    %swap3A_311 = tpu.vector_load %arg11[%swap3A_310] {strides = array<i32>} : memref<16xf32, #tpu.memory_space<vmem>>, vector<16xf32>,
    tpu.vector_store %arg11[%swap3A_310], %add3A_309 {strides = array<i32>} : memref<16xf32, #tpu.memory_space<vmem>>, vector<16xf32>,
    "tpu.region"() ({
      %run_scoped3A = tpu.sem_alloc : memref<!tpu.dma_semaphore, #tpu.memory_space<semaphore_mem>>
      %dma_start3A_312 = arith.constant 0 : i32
      %dma_start3A_313 = tpu.memref_slice %arg5[%add3A, %dma_start3A_312] : memref<32x16xf32, #tpu.memory_space<hbm>> -> memref<1x16xf32, #tpu.memory_space<hbm>>
      %dma_start3A_314 = tpu.memref_squeeze %dma_start3A_313 : memref<1x16xf32, #tpu.memory_space<hbm>> -> memref<16xf32, #tpu.memory_space<hbm>>
      %dma_start3A_315 = arith.constant 0 : i32
      %dma_start3A_316 = tpu.memref_slice %arg5[%add3A, %dma_start3A_315] : memref<32x16xf32, #tpu.memory_space<hbm>> -> memref<1x16xf32, #tpu.memory_space<hbm>>
      %dma_start3A_317 = tpu.memref_squeeze %dma_start3A_316 : memref<1x16xf32, #tpu.memory_space<hbm>> -> memref<16xf32, #tpu.memory_space<hbm>>
      tpu.enqueue_dma source(%arg11 : memref<16xf32, #tpu.memory_space<vmem>>) target(%dma_start3A_317 : memref<16xf32, #tpu.memory_space<hbm>>) target_semaphore(%run_scoped3A : memref<!tpu.dma_semaphore, #tpu.memory_space<semaphore_mem>>)
      %dma_wait3A_318 = arith.constant 0 : i32
      %dma_wait3A_319 = tpu.memref_slice %arg5[%add3A, %dma_wait3A_318] : memref<32x16xf32, #tpu.memory_space<hbm>> -> memref<1x16xf32, #tpu.memory_space<hbm>>
      %dma_wait3A_320 = tpu.memref_squeeze %dma_wait3A_319 : memref<1x16xf32, #tpu.memory_space<hbm>> -> memref<16xf32, #tpu.memory_space<hbm>>
      %dma_wait3A_321 = arith.constant 0 : i32
      %dma_wait3A_322 = tpu.memref_slice %arg5[%add3A, %dma_wait3A_321] : memref<32x16xf32, #tpu.memory_space<hbm>> -> memref<1x16xf32, #tpu.memory_space<hbm>>
      %dma_wait3A_323 = tpu.memref_squeeze %dma_wait3A_322 : memref<1x16xf32, #tpu.memory_space<hbm>> -> memref<16xf32, #tpu.memory_space<hbm>>
      tpu.wait_dma2 semaphore(%run_scoped3A : memref<!tpu.dma_semaphore, #tpu.memory_space<semaphore_mem>>) src(%arg11 : memref<16xf32, #tpu.memory_space<vmem>>) dst(%dma_wait3A_323 : memref<16xf32, #tpu.memory_space<hbm>>)
      tpu.yield
    }) : () -> ()
    return
  }
}

module attributes {stable_mosaic.version = 14 : i64} {
  func.func @body(%arg0: i32, %arg1: memref<8x16384xi32, #tpu.memory_space<vmem>>, %arg2: memref<8x24x16384xf32, #tpu.memory_space<vmem>>, %arg3: memref<24x24xf32, #tpu.memory_space<vmem>>, %arg4: memref<1x1xf32, #tpu.memory_space<smem>>) attributes {dimension_semantics = [#tpu.dimension_semantics<arbitrary>], iteration_bounds = array<i64: 24>, scalar_prefetch = 0 : i64, scratch_operands = 0 : i64, tpu.core_type = #tpu.core_type<tc>, window_params = [{transform_indices = @transform_0, window_bounds = array<i64: 8, 16384>}, {transform_indices = @transform_1, window_bounds = array<i64: 8, 24, 16384>}, {pipeline_mode = #tpu.pipeline_mode<synchronous>, transform_indices = @transform_2, window_bounds = array<i64: 24, 24>}, {transform_indices = @transform_3, window_bounds = array<i64: 1, 1>}]} {
    %iota3A = tpu.iota {dimensions = array<i32: 0>} : vector<24x16384xi32>
    %get3A = arith.constant 0 : index
    %get3A_0 = arith.constant 0 : index
    %get3A_1 = vector.load %arg1[%get3A, %get3A_0] : memref<8x16384xi32, #tpu.memory_space<vmem>>, vector<1x16384xi32>
    %eq3A = vector.broadcast %get3A_1 : vector<1x16384xi32> to vector<24x16384xi32>
    %eq3A_2 = arith.cmpi eq, %eq3A, %iota3A : vector<24x16384xi32>
    %convert_element_type3A = arith.extui %eq3A_2 : vector<24x16384xi1> to vector<24x16384xi32>
    %convert_element_type3A_3 = arith.sitofp %convert_element_type3A : vector<24x16384xi32> to vector<24x16384xf32>
    %get3A_4 = arith.constant 0 : index
    %get3A_5 = arith.constant 0 : index
    %get3A_6 = vector.load %arg3[%get3A_4, %get3A_5] : memref<24x24xf32, #tpu.memory_space<vmem>>, vector<24x24xf32>
    %dot_general3A = arith.constant dense<0.000000e+00> : vector<24x16384xf32>
    %dot_general3A_7 = tpu.matmul %get3A_6, %convert_element_type3A_3, %dot_general3A {dimension_numbers = #tpu.dot_dimension_numbers<[0], [0], [1], [1], [0, 1, 1, 1], [], []>, transpose_lhs_hint = false} : vector<24x24xf32>, vector<24x16384xf32>, vector<24x16384xf32> -> vector<24x16384xf32>
    %get3A_8 = arith.constant 0 : index
    %get3A_9 = arith.constant 0 : index
    %get3A_10 = arith.constant 0 : index
    %get3A_11 = vector.load %arg2[%get3A_8, %get3A_9, %get3A_10] : memref<8x24x16384xf32, #tpu.memory_space<vmem>>, vector<1x24x16384xf32>
    %get3A_12 = vector.shape_cast %get3A_11 : vector<1x24x16384xf32> to vector<24x16384xf32>
    %mul3A = arith.mulf %dot_general3A_7, %get3A_12 : vector<24x16384xf32>
    %reduce_sum3A = vector.shape_cast %mul3A : vector<24x16384xf32> to vector<1x24x16384xf32>
    %reduce_sum3A_13 = arith.constant dense<0.000000e+00> : vector<1xf32>
    %reduce_sum3A_14 = vector.multi_reduction <add>, %reduce_sum3A, %reduce_sum3A_13 [1, 2] : vector<1x24x16384xf32> to vector<1xf32>
    %reduce_sum3A_15 = vector.shape_cast %reduce_sum3A_14 : vector<1xf32> to vector<1x1x1xf32>
    %reduce_sum3A_16 = vector.extract %reduce_sum3A_15[0, 0, 0] : f32 from vector<1x1x1xf32>
    %add3A = arith.constant 0.000000e+00 : f32
    %add3A_17 = arith.addf %add3A, %reduce_sum3A_16 : f32
    %get3A_18 = arith.constant 1 : index
    %get3A_19 = arith.constant 0 : index
    %get3A_20 = vector.load %arg1[%get3A_18, %get3A_19] : memref<8x16384xi32, #tpu.memory_space<vmem>>, vector<1x16384xi32>
    %eq3A_21 = vector.broadcast %get3A_20 : vector<1x16384xi32> to vector<24x16384xi32>
    %eq3A_22 = arith.cmpi eq, %eq3A_21, %iota3A : vector<24x16384xi32>
    %convert_element_type3A_23 = arith.extui %eq3A_22 : vector<24x16384xi1> to vector<24x16384xi32>
    %convert_element_type3A_24 = arith.sitofp %convert_element_type3A_23 : vector<24x16384xi32> to vector<24x16384xf32>
    %get3A_25 = arith.constant 0 : index
    %get3A_26 = arith.constant 0 : index
    %get3A_27 = vector.load %arg3[%get3A_25, %get3A_26] : memref<24x24xf32, #tpu.memory_space<vmem>>, vector<24x24xf32>
    %dot_general3A_28 = arith.constant dense<0.000000e+00> : vector<24x16384xf32>
    %dot_general3A_29 = tpu.matmul %get3A_27, %convert_element_type3A_24, %dot_general3A_28 {dimension_numbers = #tpu.dot_dimension_numbers<[0], [0], [1], [1], [0, 1, 1, 1], [], []>, transpose_lhs_hint = false} : vector<24x24xf32>, vector<24x16384xf32>, vector<24x16384xf32> -> vector<24x16384xf32>
    %get3A_30 = arith.constant 1 : index
    %get3A_31 = arith.constant 0 : index
    %get3A_32 = arith.constant 0 : index
    %get3A_33 = vector.load %arg2[%get3A_30, %get3A_31, %get3A_32] : memref<8x24x16384xf32, #tpu.memory_space<vmem>>, vector<1x24x16384xf32>
    %get3A_34 = vector.shape_cast %get3A_33 : vector<1x24x16384xf32> to vector<24x16384xf32>
    %mul3A_35 = arith.mulf %dot_general3A_29, %get3A_34 : vector<24x16384xf32>
    %reduce_sum3A_36 = vector.shape_cast %mul3A_35 : vector<24x16384xf32> to vector<1x24x16384xf32>
    %reduce_sum3A_37 = arith.constant dense<0.000000e+00> : vector<1xf32>
    %reduce_sum3A_38 = vector.multi_reduction <add>, %reduce_sum3A_36, %reduce_sum3A_37 [1, 2] : vector<1x24x16384xf32> to vector<1xf32>
    %reduce_sum3A_39 = vector.shape_cast %reduce_sum3A_38 : vector<1xf32> to vector<1x1x1xf32>
    %reduce_sum3A_40 = vector.extract %reduce_sum3A_39[0, 0, 0] : f32 from vector<1x1x1xf32>
    %add3A_41 = arith.addf %add3A_17, %reduce_sum3A_40 : f32
    %get3A_42 = arith.constant 2 : index
    %get3A_43 = arith.constant 0 : index
    %get3A_44 = vector.load %arg1[%get3A_42, %get3A_43] : memref<8x16384xi32, #tpu.memory_space<vmem>>, vector<1x16384xi32>
    %eq3A_45 = vector.broadcast %get3A_44 : vector<1x16384xi32> to vector<24x16384xi32>
    %eq3A_46 = arith.cmpi eq, %eq3A_45, %iota3A : vector<24x16384xi32>
    %convert_element_type3A_47 = arith.extui %eq3A_46 : vector<24x16384xi1> to vector<24x16384xi32>
    %convert_element_type3A_48 = arith.sitofp %convert_element_type3A_47 : vector<24x16384xi32> to vector<24x16384xf32>
    %get3A_49 = arith.constant 0 : index
    %get3A_50 = arith.constant 0 : index
    %get3A_51 = vector.load %arg3[%get3A_49, %get3A_50] : memref<24x24xf32, #tpu.memory_space<vmem>>, vector<24x24xf32>
    %dot_general3A_52 = arith.constant dense<0.000000e+00> : vector<24x16384xf32>
    %dot_general3A_53 = tpu.matmul %get3A_51, %convert_element_type3A_48, %dot_general3A_52 {dimension_numbers = #tpu.dot_dimension_numbers<[0], [0], [1], [1], [0, 1, 1, 1], [], []>, transpose_lhs_hint = false} : vector<24x24xf32>, vector<24x16384xf32>, vector<24x16384xf32> -> vector<24x16384xf32>
    %get3A_54 = arith.constant 2 : index
    %get3A_55 = arith.constant 0 : index
    %get3A_56 = arith.constant 0 : index
    %get3A_57 = vector.load %arg2[%get3A_54, %get3A_55, %get3A_56] : memref<8x24x16384xf32, #tpu.memory_space<vmem>>, vector<1x24x16384xf32>
    %get3A_58 = vector.shape_cast %get3A_57 : vector<1x24x16384xf32> to vector<24x16384xf32>
    %mul3A_59 = arith.mulf %dot_general3A_53, %get3A_58 : vector<24x16384xf32>
    %reduce_sum3A_60 = vector.shape_cast %mul3A_59 : vector<24x16384xf32> to vector<1x24x16384xf32>
    %reduce_sum3A_61 = arith.constant dense<0.000000e+00> : vector<1xf32>
    %reduce_sum3A_62 = vector.multi_reduction <add>, %reduce_sum3A_60, %reduce_sum3A_61 [1, 2] : vector<1x24x16384xf32> to vector<1xf32>
    %reduce_sum3A_63 = vector.shape_cast %reduce_sum3A_62 : vector<1xf32> to vector<1x1x1xf32>
    %reduce_sum3A_64 = vector.extract %reduce_sum3A_63[0, 0, 0] : f32 from vector<1x1x1xf32>
    %add3A_65 = arith.addf %add3A_41, %reduce_sum3A_64 : f32
    %get3A_66 = arith.constant 3 : index
    %get3A_67 = arith.constant 0 : index
    %get3A_68 = vector.load %arg1[%get3A_66, %get3A_67] : memref<8x16384xi32, #tpu.memory_space<vmem>>, vector<1x16384xi32>
    %eq3A_69 = vector.broadcast %get3A_68 : vector<1x16384xi32> to vector<24x16384xi32>
    %eq3A_70 = arith.cmpi eq, %eq3A_69, %iota3A : vector<24x16384xi32>
    %convert_element_type3A_71 = arith.extui %eq3A_70 : vector<24x16384xi1> to vector<24x16384xi32>
    %convert_element_type3A_72 = arith.sitofp %convert_element_type3A_71 : vector<24x16384xi32> to vector<24x16384xf32>
    %get3A_73 = arith.constant 0 : index
    %get3A_74 = arith.constant 0 : index
    %get3A_75 = vector.load %arg3[%get3A_73, %get3A_74] : memref<24x24xf32, #tpu.memory_space<vmem>>, vector<24x24xf32>
    %dot_general3A_76 = arith.constant dense<0.000000e+00> : vector<24x16384xf32>
    %dot_general3A_77 = tpu.matmul %get3A_75, %convert_element_type3A_72, %dot_general3A_76 {dimension_numbers = #tpu.dot_dimension_numbers<[0], [0], [1], [1], [0, 1, 1, 1], [], []>, transpose_lhs_hint = false} : vector<24x24xf32>, vector<24x16384xf32>, vector<24x16384xf32> -> vector<24x16384xf32>
    %get3A_78 = arith.constant 3 : index
    %get3A_79 = arith.constant 0 : index
    %get3A_80 = arith.constant 0 : index
    %get3A_81 = vector.load %arg2[%get3A_78, %get3A_79, %get3A_80] : memref<8x24x16384xf32, #tpu.memory_space<vmem>>, vector<1x24x16384xf32>
    %get3A_82 = vector.shape_cast %get3A_81 : vector<1x24x16384xf32> to vector<24x16384xf32>
    %mul3A_83 = arith.mulf %dot_general3A_77, %get3A_82 : vector<24x16384xf32>
    %reduce_sum3A_84 = vector.shape_cast %mul3A_83 : vector<24x16384xf32> to vector<1x24x16384xf32>
    %reduce_sum3A_85 = arith.constant dense<0.000000e+00> : vector<1xf32>
    %reduce_sum3A_86 = vector.multi_reduction <add>, %reduce_sum3A_84, %reduce_sum3A_85 [1, 2] : vector<1x24x16384xf32> to vector<1xf32>
    %reduce_sum3A_87 = vector.shape_cast %reduce_sum3A_86 : vector<1xf32> to vector<1x1x1xf32>
    %reduce_sum3A_88 = vector.extract %reduce_sum3A_87[0, 0, 0] : f32 from vector<1x1x1xf32>
    %add3A_89 = arith.addf %add3A_65, %reduce_sum3A_88 : f32
    %get3A_90 = arith.constant 4 : index
    %get3A_91 = arith.constant 0 : index
    %get3A_92 = vector.load %arg1[%get3A_90, %get3A_91] : memref<8x16384xi32, #tpu.memory_space<vmem>>, vector<1x16384xi32>
    %eq3A_93 = vector.broadcast %get3A_92 : vector<1x16384xi32> to vector<24x16384xi32>
    %eq3A_94 = arith.cmpi eq, %eq3A_93, %iota3A : vector<24x16384xi32>
    %convert_element_type3A_95 = arith.extui %eq3A_94 : vector<24x16384xi1> to vector<24x16384xi32>
    %convert_element_type3A_96 = arith.sitofp %convert_element_type3A_95 : vector<24x16384xi32> to vector<24x16384xf32>
    %get3A_97 = arith.constant 0 : index
    %get3A_98 = arith.constant 0 : index
    %get3A_99 = vector.load %arg3[%get3A_97, %get3A_98] : memref<24x24xf32, #tpu.memory_space<vmem>>, vector<24x24xf32>
    %dot_general3A_100 = arith.constant dense<0.000000e+00> : vector<24x16384xf32>
    %dot_general3A_101 = tpu.matmul %get3A_99, %convert_element_type3A_96, %dot_general3A_100 {dimension_numbers = #tpu.dot_dimension_numbers<[0], [0], [1], [1], [0, 1, 1, 1], [], []>, transpose_lhs_hint = false} : vector<24x24xf32>, vector<24x16384xf32>, vector<24x16384xf32> -> vector<24x16384xf32>
    %get3A_102 = arith.constant 4 : index
    %get3A_103 = arith.constant 0 : index
    %get3A_104 = arith.constant 0 : index
    %get3A_105 = vector.load %arg2[%get3A_102, %get3A_103, %get3A_104] : memref<8x24x16384xf32, #tpu.memory_space<vmem>>, vector<1x24x16384xf32>
    %get3A_106 = vector.shape_cast %get3A_105 : vector<1x24x16384xf32> to vector<24x16384xf32>
    %mul3A_107 = arith.mulf %dot_general3A_101, %get3A_106 : vector<24x16384xf32>
    %reduce_sum3A_108 = vector.shape_cast %mul3A_107 : vector<24x16384xf32> to vector<1x24x16384xf32>
    %reduce_sum3A_109 = arith.constant dense<0.000000e+00> : vector<1xf32>
    %reduce_sum3A_110 = vector.multi_reduction <add>, %reduce_sum3A_108, %reduce_sum3A_109 [1, 2] : vector<1x24x16384xf32> to vector<1xf32>
    %reduce_sum3A_111 = vector.shape_cast %reduce_sum3A_110 : vector<1xf32> to vector<1x1x1xf32>
    %reduce_sum3A_112 = vector.extract %reduce_sum3A_111[0, 0, 0] : f32 from vector<1x1x1xf32>
    %add3A_113 = arith.addf %add3A_89, %reduce_sum3A_112 : f32
    %get3A_114 = arith.constant 5 : index
    %get3A_115 = arith.constant 0 : index
    %get3A_116 = vector.load %arg1[%get3A_114, %get3A_115] : memref<8x16384xi32, #tpu.memory_space<vmem>>, vector<1x16384xi32>
    %eq3A_117 = vector.broadcast %get3A_116 : vector<1x16384xi32> to vector<24x16384xi32>
    %eq3A_118 = arith.cmpi eq, %eq3A_117, %iota3A : vector<24x16384xi32>
    %convert_element_type3A_119 = arith.extui %eq3A_118 : vector<24x16384xi1> to vector<24x16384xi32>
    %convert_element_type3A_120 = arith.sitofp %convert_element_type3A_119 : vector<24x16384xi32> to vector<24x16384xf32>
    %get3A_121 = arith.constant 0 : index
    %get3A_122 = arith.constant 0 : index
    %get3A_123 = vector.load %arg3[%get3A_121, %get3A_122] : memref<24x24xf32, #tpu.memory_space<vmem>>, vector<24x24xf32>
    %dot_general3A_124 = arith.constant dense<0.000000e+00> : vector<24x16384xf32>
    %dot_general3A_125 = tpu.matmul %get3A_123, %convert_element_type3A_120, %dot_general3A_124 {dimension_numbers = #tpu.dot_dimension_numbers<[0], [0], [1], [1], [0, 1, 1, 1], [], []>, transpose_lhs_hint = false} : vector<24x24xf32>, vector<24x16384xf32>, vector<24x16384xf32> -> vector<24x16384xf32>
    %get3A_126 = arith.constant 5 : index
    %get3A_127 = arith.constant 0 : index
    %get3A_128 = arith.constant 0 : index
    %get3A_129 = vector.load %arg2[%get3A_126, %get3A_127, %get3A_128] : memref<8x24x16384xf32, #tpu.memory_space<vmem>>, vector<1x24x16384xf32>
    %get3A_130 = vector.shape_cast %get3A_129 : vector<1x24x16384xf32> to vector<24x16384xf32>
    %mul3A_131 = arith.mulf %dot_general3A_125, %get3A_130 : vector<24x16384xf32>
    %reduce_sum3A_132 = vector.shape_cast %mul3A_131 : vector<24x16384xf32> to vector<1x24x16384xf32>
    %reduce_sum3A_133 = arith.constant dense<0.000000e+00> : vector<1xf32>
    %reduce_sum3A_134 = vector.multi_reduction <add>, %reduce_sum3A_132, %reduce_sum3A_133 [1, 2] : vector<1x24x16384xf32> to vector<1xf32>
    %reduce_sum3A_135 = vector.shape_cast %reduce_sum3A_134 : vector<1xf32> to vector<1x1x1xf32>
    %reduce_sum3A_136 = vector.extract %reduce_sum3A_135[0, 0, 0] : f32 from vector<1x1x1xf32>
    %add3A_137 = arith.addf %add3A_113, %reduce_sum3A_136 : f32
    %get3A_138 = arith.constant 6 : index
    %get3A_139 = arith.constant 0 : index
    %get3A_140 = vector.load %arg1[%get3A_138, %get3A_139] : memref<8x16384xi32, #tpu.memory_space<vmem>>, vector<1x16384xi32>
    %eq3A_141 = vector.broadcast %get3A_140 : vector<1x16384xi32> to vector<24x16384xi32>
    %eq3A_142 = arith.cmpi eq, %eq3A_141, %iota3A : vector<24x16384xi32>
    %convert_element_type3A_143 = arith.extui %eq3A_142 : vector<24x16384xi1> to vector<24x16384xi32>
    %convert_element_type3A_144 = arith.sitofp %convert_element_type3A_143 : vector<24x16384xi32> to vector<24x16384xf32>
    %get3A_145 = arith.constant 0 : index
    %get3A_146 = arith.constant 0 : index
    %get3A_147 = vector.load %arg3[%get3A_145, %get3A_146] : memref<24x24xf32, #tpu.memory_space<vmem>>, vector<24x24xf32>
    %dot_general3A_148 = arith.constant dense<0.000000e+00> : vector<24x16384xf32>
    %dot_general3A_149 = tpu.matmul %get3A_147, %convert_element_type3A_144, %dot_general3A_148 {dimension_numbers = #tpu.dot_dimension_numbers<[0], [0], [1], [1], [0, 1, 1, 1], [], []>, transpose_lhs_hint = false} : vector<24x24xf32>, vector<24x16384xf32>, vector<24x16384xf32> -> vector<24x16384xf32>
    %get3A_150 = arith.constant 6 : index
    %get3A_151 = arith.constant 0 : index
    %get3A_152 = arith.constant 0 : index
    %get3A_153 = vector.load %arg2[%get3A_150, %get3A_151, %get3A_152] : memref<8x24x16384xf32, #tpu.memory_space<vmem>>, vector<1x24x16384xf32>
    %get3A_154 = vector.shape_cast %get3A_153 : vector<1x24x16384xf32> to vector<24x16384xf32>
    %mul3A_155 = arith.mulf %dot_general3A_149, %get3A_154 : vector<24x16384xf32>
    %reduce_sum3A_156 = vector.shape_cast %mul3A_155 : vector<24x16384xf32> to vector<1x24x16384xf32>
    %reduce_sum3A_157 = arith.constant dense<0.000000e+00> : vector<1xf32>
    %reduce_sum3A_158 = vector.multi_reduction <add>, %reduce_sum3A_156, %reduce_sum3A_157 [1, 2] : vector<1x24x16384xf32> to vector<1xf32>
    %reduce_sum3A_159 = vector.shape_cast %reduce_sum3A_158 : vector<1xf32> to vector<1x1x1xf32>
    %reduce_sum3A_160 = vector.extract %reduce_sum3A_159[0, 0, 0] : f32 from vector<1x1x1xf32>
    %add3A_161 = arith.addf %add3A_137, %reduce_sum3A_160 : f32
    %get3A_162 = arith.constant 7 : index
    %get3A_163 = arith.constant 0 : index
    %get3A_164 = vector.load %arg1[%get3A_162, %get3A_163] : memref<8x16384xi32, #tpu.memory_space<vmem>>, vector<1x16384xi32>
    %eq3A_165 = vector.broadcast %get3A_164 : vector<1x16384xi32> to vector<24x16384xi32>
    %eq3A_166 = arith.cmpi eq, %eq3A_165, %iota3A : vector<24x16384xi32>
    %convert_element_type3A_167 = arith.extui %eq3A_166 : vector<24x16384xi1> to vector<24x16384xi32>
    %convert_element_type3A_168 = arith.sitofp %convert_element_type3A_167 : vector<24x16384xi32> to vector<24x16384xf32>
    %get3A_169 = arith.constant 0 : index
    %get3A_170 = arith.constant 0 : index
    %get3A_171 = vector.load %arg3[%get3A_169, %get3A_170] : memref<24x24xf32, #tpu.memory_space<vmem>>, vector<24x24xf32>
    %dot_general3A_172 = arith.constant dense<0.000000e+00> : vector<24x16384xf32>
    %dot_general3A_173 = tpu.matmul %get3A_171, %convert_element_type3A_168, %dot_general3A_172 {dimension_numbers = #tpu.dot_dimension_numbers<[0], [0], [1], [1], [0, 1, 1, 1], [], []>, transpose_lhs_hint = false} : vector<24x24xf32>, vector<24x16384xf32>, vector<24x16384xf32> -> vector<24x16384xf32>
    %get3A_174 = arith.constant 7 : index
    %get3A_175 = arith.constant 0 : index
    %get3A_176 = arith.constant 0 : index
    %get3A_177 = vector.load %arg2[%get3A_174, %get3A_175, %get3A_176] : memref<8x24x16384xf32, #tpu.memory_space<vmem>>, vector<1x24x16384xf32>
    %get3A_178 = vector.shape_cast %get3A_177 : vector<1x24x16384xf32> to vector<24x16384xf32>
    %mul3A_179 = arith.mulf %dot_general3A_173, %get3A_178 : vector<24x16384xf32>
    %reduce_sum3A_180 = vector.shape_cast %mul3A_179 : vector<24x16384xf32> to vector<1x24x16384xf32>
    %reduce_sum3A_181 = arith.constant dense<0.000000e+00> : vector<1xf32>
    %reduce_sum3A_182 = vector.multi_reduction <add>, %reduce_sum3A_180, %reduce_sum3A_181 [1, 2] : vector<1x24x16384xf32> to vector<1xf32>
    %reduce_sum3A_183 = vector.shape_cast %reduce_sum3A_182 : vector<1xf32> to vector<1x1x1xf32>
    %reduce_sum3A_184 = vector.extract %reduce_sum3A_183[0, 0, 0] : f32 from vector<1x1x1xf32>
    %add3A_185 = arith.addf %add3A_161, %reduce_sum3A_184 : f32
    %eq3A_186 = arith.constant 0 : i32
    %eq3A_187 = arith.cmpi eq, %arg0, %eq3A_186 : i32
    %convert_element_type3A_188 = arith.extui %eq3A_187 : i1 to i32
    %cond3A = arith.constant 0 : i32
    %cond3A_189 = arith.cmpi ne, %convert_element_type3A_188, %cond3A : i32
    scf.if %cond3A_189 {
      %swap3A = arith.constant 0 : index
      %swap3A_194 = arith.constant 0 : index
      %swap3A_195 = memref.load %arg4[%swap3A, %swap3A_194] : memref<1x1xf32, #tpu.memory_space<smem>>
      memref.store %add3A_185, %arg4[%swap3A, %swap3A_194] : memref<1x1xf32, #tpu.memory_space<smem>>
    } else {
    }
    %gt3A = arith.constant 0 : i32
    %gt3A_190 = arith.cmpi sgt, %arg0, %gt3A : i32
    %convert_element_type3A_191 = arith.extui %gt3A_190 : i1 to i32
    %cond3A_192 = arith.constant 0 : i32
    %cond3A_193 = arith.cmpi ne, %convert_element_type3A_191, %cond3A_192 : i32
    scf.if %cond3A_193 {
      %get3A_194 = arith.constant 0 : index
      %get3A_195 = arith.constant 0 : index
      %get3A_196 = memref.load %arg4[%get3A_194, %get3A_195] : memref<1x1xf32, #tpu.memory_space<smem>>
      %add3A_197 = arith.addf %get3A_196, %add3A_185 : f32
      %swap3A = arith.constant 0 : index
      %swap3A_198 = arith.constant 0 : index
      %swap3A_199 = memref.load %arg4[%swap3A, %swap3A_198] : memref<1x1xf32, #tpu.memory_space<smem>>
      memref.store %add3A_197, %arg4[%swap3A, %swap3A_198] : memref<1x1xf32, #tpu.memory_space<smem>>
    } else {
    }
    return
  }
  func.func @transform_0(%arg0: i32) -> (i32, i32) {
    %c0_i32 = arith.constant 0 : i32
    %c0_i32_0 = arith.constant 0 : i32
    return %arg0, %c0_i32 : i32, i32
  }
  func.func @transform_1(%arg0: i32) -> (i32, i32, i32) {
    %c0_i32 = arith.constant 0 : i32
    %c0_i32_0 = arith.constant 0 : i32
    %c0_i32_1 = arith.constant 0 : i32
    return %arg0, %c0_i32, %c0_i32_0 : i32, i32, i32
  }
  func.func @transform_2(%arg0: i32) -> (i32, i32) {
    %c0_i32 = arith.constant 0 : i32
    %c0_i32_0 = arith.constant 0 : i32
    %c0_i32_1 = arith.constant 0 : i32
    return %c0_i32, %c0_i32_0 : i32, i32
  }
  func.func @transform_3(%arg0: i32) -> (i32, i32) {
    %c0_i32 = arith.constant 0 : i32
    %c0_i32_0 = arith.constant 0 : i32
    %c0_i32_1 = arith.constant 0 : i32
    return %c0_i32, %c0_i32_0 : i32, i32
  }
}

</mosaic_0001>

<sc_bundles>
// kernel: kernel.4.cloned.1.call-start
scs
__scs_entry_jumppad:
0x0: {  	(pc) =	sbr.rel $0x88, $3  }
0x1: {  	(tag) =	ssettag $0x0;
	lr =	simm.s32 $0x1  }
0x2: {  	[smem:$0x3F9E] =	sst lr;
	_ =	strace $0xD0000000  }
0x3: {  	_ = 	snop  }
0x4: {  	_ = 	snop  }
0x5: {  	_ = 	snop  }
0x6: {  	_ = 	snop  }
0x7: {  	_ = 	snop  }
__scs_overlays_trampoline_lowered:
0x8: {  	[smem:$0x3FAD] =	sst s0  }
0x9: {  	[smem:$0x3FAE] =	sst s1  }
0xa: {  	[smem:$0x3FAF] =	sst s2  }
0xb: {  	[smem:$0x3FB0] =	sst s3  }
0xc: {  	[smem:$0x3FB1] =	sst s4  }
0xd: {  	[smem:$0x3FB2] =	sst s5  }
0xe: {  	[smem:$0x3FB3] =	sst s6  }
0xf: {  	[smem:$0x3FB4] =	sst s7  }
0x10: {  	[smem:$0x3FB5] =	sst s8  }
0x11: {  	[smem:$0x3FB6] =	sst s9;
	s0 =	simm.s32 @!p0 $0x0  }
0x12: {  	s1 =	sld [smem:$0x3F9C];
	s0 =	simm.s32 @p0 $0x1  }
0x13: {  	[smem:$0x3FB7] =	sst s0;
	s0 =	simm.s32 @!p1 $0x0  }
0x14: {  	s2 =	sld [smem:$0x3F9B];
	s0 =	simm.s32 @p1 $0x1  }
0x15: {  	[smem:$0x3FB8] =	sst s0;
	s0 =	simm.s32 @!p2 $0x0  }
0x16: {  	s3 =	sld [smem:$0x3FDB];
	s0 =	simm.s32 @p2 $0x1  }
0x17: {  	s4 =	simm.s32 $0x1BF5;
	[smem:$0x3FBA] =	sst s0  }
0x18: {  	s0 =	sld [smem:$0x3F9D];
	_ =	swait.ge [sflag:s4], $0x0  }
0x19: {  	s7 =	sld [smem:$0x3F9E]  }
0x1a: {  	s8 =	sadd.s32 $0xFFFFE003, lr  }
0x1b: {  	s9 =	sadd.s32 $0xFFFFFEF7, lr;
	s5 =	simm.s32 $0xFFFFFFFF;
	p2 =	slt.u32 s8, $0xFFFFF086  }
0x1c: {  	p1 =	slt.u32 s9, $0xF7A;
	s5 =	simm.s32 @!p2 $0x0  }
0x1d: {  	s5 =	simm.s32 @p1 $0x1;
	p0 =	seq.s32 s7, s2  }
0x1e: {  	s7 =	smul.u32 @!p0 $0xF7A, s2;
	p2 =	seq.s32 @!p0 s5, $0x0  }
0x1f: {  	s9 =	smul.u32 $0xF7A, s1;
	s8 =	simm.s32 @!p0 $0x1BF5;
	p2 =	por !p2, p0  }
0x20: {  	[sflag:s8] =	ssyncset.s32 @!p0 $0xFFFFF086;
	s6 =	sadd.s32 @!p0 s3, s7;
	s7 =	simm.s32 @!p0 $0x108  }
0x21: {  	s3 =	sadd.s32 s3, s9;
	s6 =	sadd.s32 @!p0 $0x88, s6;
	s7 =	simm.s32 @p2 $0x1082  }
0x22: {  	[simem:s7], [sflag:s8] =	dma.local @!p0 [hbm:s6], $0xF7A  }
0x23: {  	s9 =	sor.u32 $0xD0000000, s2;
	s6 =	simm.s32 $0x108;
	_ =	swait.ge @!p0 [sflag:s8], $0x0  }
0x24: {  	s3 =	sadd.s32 $0x88, s3;
	s6 =	simm.s32 @!p1 $0x1082;
	[sflag:s4] =	ssyncset.s32 $0xFFFFF086  }
0x25: {  	[simem:s6], [sflag:s4] =	dma.local [hbm:s3], $0xF7A  }
0x26: {  	[smem:$0x3F9E] =	sst s1;
	(tag) =	ssettag s2;
	_ =	strace s9  }
0x27: {  	s1 =	sld [smem:$0x3FAE]  }
0x28: {  	s2 =	sld [smem:$0x3FAF]  }
0x29: {  	s4 =	sld [smem:$0x3FB1]  }
0x2a: {  	p0 =	seq.s32 s5, $0x0;
	s5 =	sld [smem:$0x3FB2]  }
0x2b: {  	s6 =	sld [smem:$0x3FB3]  }
0x2c: {  	s7 =	sld [smem:$0x3FB4]  }
0x2d: {  	s3 =	simm.s32 $0x108;
	s8 =	sld [smem:$0x3FB5]  }
0x2e: {  	s3 =	simm.s32 @!p0 $0x1082;
	s9 =	sld [smem:$0x3FB6]  }
0x2f: {  	lr =	sadd.s32 s0, s3;
	s0 =	sld [smem:$0x3FAD]  }
0x30: {  	s3 =	sld [smem:$0x3FB0]  }
0x31: {  	[smem:$0x3FB9] =	sst s10  }
0x32: {  	s10 =	sld [smem:$0x3FB7];
	_ =	sdelay $0x3  }
0x33: {  	p0 =	seq.s32 s10, $0x1;
	s10 =	sld [smem:$0x3FB9];
	_ =	sdelay $0x3  }
0x34: {  	[smem:$0x3FB9] =	sst s10  }
0x35: {  	s10 =	sld [smem:$0x3FB8];
	_ =	sdelay $0x3  }
0x36: {  	p1 =	seq.s32 s10, $0x1;
	s10 =	sld [smem:$0x3FB9];
	_ =	sdelay $0x3  }
0x37: {  	[smem:$0x3FB9] =	sst s10  }
0x38: {  	s10 =	sld [smem:$0x3FBA]  }
0x39: {  	_ = 	snop;
	(pc) =	sbr.ind lr, $3  }
0x3a: {  	_ = 	snop  }
0x3b: {  	_ = 	snop  }
0x3c: {  	p2 =	seq.s32 s10, $0x1;
	s10 =	sld [smem:$0x3FB9]  }
0x3d: {  	_ =	shalt  }
0x3e: {  	_ =	shalt  }
0x3f: {  	_ =	shalt  }
0x40: {  	_ =	shalt  }
0x41: {  	_ =	shalt  }
0x42: {  	_ =	shalt  }
0x43: {  	_ =	shalt  }
0x44: {  	_ =	shalt  }
0x45: {  	_ =	shalt  }
0x46: {  	_ =	shalt  }
0x47: {  	_ =	shalt  }
0x48: {  	_ =	shalt  }
0x49: {  	_ =	shalt  }
0x4a: {  	_ =	shalt  }
0x4b: {  	_ =	shalt  }
0x4c: {  	_ =	shalt  }
0x4d: {  	_ =	shalt  }
0x4e: {  	_ =	shalt  }
0x4f: {  	_ =	shalt  }
0x50: {  	_ =	shalt  }
0x51: {  	_ =	shalt  }
0x52: {  	_ =	shalt  }
0x53: {  	_ =	shalt  }
0x54: {  	_ =	shalt  }
0x55: {  	_ =	shalt  }
0x56: {  	_ =	shalt  }
0x57: {  	_ =	shalt  }
0x58: {  	_ =	shalt  }
0x59: {  	_ =	shalt  }
0x5a: {  	_ =	shalt  }
0x5b: {  	_ =	shalt  }
0x5c: {  	_ =	shalt  }
0x5d: {  	_ =	shalt  }
0x5e: {  	_ =	shalt  }
0x5f: {  	_ =	shalt  }
0x60: {  	_ =	shalt  }
0x61: {  	_ =	shalt  }
0x62: {  	_ =	shalt  }
0x63: {  	_ =	shalt  }
0x64: {  	_ =	shalt  }
0x65: {  	_ =	shalt  }
0x66: {  	_ =	shalt  }
0x67: {  	_ =	shalt  }
0x68: {  	_ =	shalt  }
0x69: {  	_ =	shalt  }
0x6a: {  	_ =	shalt  }
0x6b: {  	_ =	shalt  }
0x6c: {  	_ =	shalt  }
0x6d: {  	_ =	shalt  }
0x6e: {  	_ =	shalt  }
0x6f: {  	_ =	shalt  }
0x70: {  	_ =	shalt  }
0x71: {  	_ =	shalt  }
0x72: {  	_ =	shalt  }
0x73: {  	_ =	shalt  }
0x74: {  	_ =	shalt  }
0x75: {  	_ =	shalt  }
0x76: {  	_ =	shalt  }
0x77: {  	_ =	shalt  }
0x78: {  	_ =	shalt  }
0x79: {  	_ =	shalt  }
0x7a: {  	_ =	shalt  }
0x7b: {  	_ =	shalt  }
0x7c: {  	_ =	shalt  }
0x7d: {  	_ =	shalt  }
0x7e: {  	_ =	shalt  }
0x7f: {  	_ =	shalt  }
0x80: {  	_ =	shalt  }
0x81: {  	_ =	shalt  }
0x82: {  	_ =	shalt  }
0x83: {  	_ =	shalt  }
0x84: {  	_ =	shalt  }
0x85: {  	_ =	shalt  }
0x86: {  	_ =	shalt  }
0x87: {  	_ =	shalt  }
.Lfunc_end0:
.L_simem_size_0:
called_computation_lowered:
.L_overlay_start_0:
0x88: {  	s2 =	sld [smem:$0x3FD9]  }
0x89: {  	s3 =	sld [smem:$0x3FFE];
	_ =	sdelay $0x1  }
0x8a: {  	s1 =	srdreg.scid  }
0x8b: {  	s0 =	sand.u32 $0x1, s1  }
0x8c: {  	s17 =	sshll.u32 s0, $0xA;
	s2 =	sadd.s32 s3, s2  }
0x8d: {  	s2 =	sadd.s32 s2, s17  }
0x8e: {  	[smem:$0x3FC5] =	sst s2  }
0x8f: {  	_ = 	snop  }
0x90: {  	s2 =	sld [smem:$0x3FC9]  }
0x91: {  	s18 =	sld [smem:$0x3FC8];
	(tm) =	ssettm $0x1  }
0x92: {  	s4 =	sld [smem:$0x3FFB];
	_ =	sdelay $0x3  }
0x93: {  	_ =	strace s4  }
0x94: {  	s4 =	sld [smem:$0x3FFC];
	_ =	sdelay $0x3  }
0x95: {  	_ =	strace s4  }
0x96: {  	s4 =	sld [smem:$0x3FFD];
	_ =	sdelay $0x3  }
0x97: {  	_ =	strace s4  }
0x98: {  	_ =	strace $0x8FFFFFFF  }
0x99: {  	s19 =	sld [smem:$0x3FDB];
	_ =	sdelay $0x1  }
0x9a: {  	s5 =	simm.s32 $_scs_section_size  }
0x9b: {  	s6 =	simm.s32 $_size__tile_overlayer_lowered;
	s7 =	simm.s32 $_tile_overlayer_lowered  }
0x9c: {  	s22 =	simm.s32 $0x1BFF;
	s21 =	sshll.u32 s7, $0x1;
	s4 =	sadd.s32 s5, s19  }
0x9d: {  	s8 =	simm.s32 $0x0;
	s20 =	sshll.u32 s6, $0x1;
	s6 =	sadd.s32 s21, s4  }
0x9e: {  	[timem:s8], [sflag:s22] =	dma.local [hbm:s6], s20  }
0x9f: {  	_ =	swait.ge [sflag:s22], s20  }
0xa0: {  	s5 =	ssub.s32 $0x0, s20;
	[sflag:s22] =	ssyncset.done $0x0  }
0xa1: {  	[sflag:s22] =	ssyncadd.s32 s5;
	_ =	sdelay $0x1  }
0xa2: {  	s23 =	simm.s32 $0x1B8B  }
0xa3: {  	_ =	swait.ge [sflag:s23], $0x1  }
0xa4: {  	[sflag:s23] =	ssyncset.done $0x0  }
0xa5: {  	s25 =	simm.s32 $0x1B8E;
	s24 =	sld [smem:$0x3FFE];
	[sflag:s23] =	ssyncadd.s32 $0xFFFFFFFF  }
0xa6: {  	s26 =	simm.s32 $execute0_lowered;
	[smem:$0x3FD2] =	sst s25  }
0xa7: {  	s6 =	sshll.u32 s26, $0x1;
	_ =	strace $0x80000046;
	[dreg:$0x1] =	wrdreg $0xFFFFFFFF  }
0xa8: {  	s28 =	simm.s32 $_size_execute0_lowered;
	s4 =	sadd.s32 s4, s6;
	[dreg:$0x0] =	wrdreg $0x0  }
0xa9: {  	s6 =	sshll.u32 s28, $0x1;
	[dreg:$0x2] =	wrdreg s4  }
0xaa: {  	[dreg:$0x3] =	wrdreg s6  }
0xab: {  	[dreg:$0x4] =	wrdreg $0xC0  }
0xac: {  	_ =	task [dreg:s8], $0x5FFFF  }
0xad: {  	[dreg:$0x1] =	wrdreg $0xFFFFFFFF  }
0xae: {  	[dreg:$0x0] =	wrdreg $0x60  }
0xaf: {  	[dreg:$0x2] =	wrdreg s2  }
0xb0: {  	[dreg:$0x3] =	wrdreg s18  }
0xb1: {  	[dreg:$0x4] =	wrdreg s24  }
0xb2: {  	[dreg:$0x5] =	wrdreg $0x9  }
0xb3: {  	_ =	task.clear_ibuf [dreg:s8], $0x6FFFF;
	_ =	strace $0x90000046  }
0xb4: {  	s29 =	simm.s32 $0x9;
	_ =	strace $0x80000048  }
0xb5: {  	_ =	swait.ge [sflag:s29], $0x1  }
0xb6: {  	[sflag:s29] =	ssyncadd.s32 $0xFFFFFFFF  }
0xb7: {  	_ =	strace $0x90000048  }
0xb8: {  	_ =	sfence  }
0xb9: {  	s30 =	sld [smem:$0x0];
	_ =	sdelay $0x2  }
0xba: {  	s31 =	sshll.u32 s1, $0xD;
	s1 =	sshrl.u32 s1, $0x2  }
0xbb: {  	s3 =	sand.u32 $0x4000, s31;
	s1 =	sadd.s32 s1, s30  }
0xbc: {  	s0 =	sor.u32 s3, s0;
	s1 =	sshll.u32 s1, $0x11  }
0xbd: {  	s0 =	sor.u32 s1, s0  }
0xbe: {  	s0 =	sadd.s32 $0x8F2B, s0  }
0xbf: {  	[sflag:s0] =	ssyncadd.remote.s32 $0x1  }
0xc0: {  	_ =	sfence.sel $0xFFFF  }
0xc1: {  	[dreg:$0x0] =	wrdreg $0xFFFFFFFF;
	(pc) =	sbr.abs _section_cstart, $3  }
0xc2: {  	[dreg:$0x1] =	wrdreg $0xFFFFFFFF  }
0xc3: {  	_ =	task.clear_ibuf [dreg:s8], $0x2FFFF;
	_ =	strace $0x9FFFFFFF  }
0xc4: {  	(tm) =	ssettm $0x7FFFFFFF  }
0xc5: {  	_ =	shalt  }
tec
execute0_lowered:
.L_overlay_start_1:
0x0: {  	(tag) =	ssettag $0x1  }
0x1: {  	s0 =	rddreg [dreg:$0x0]  }
0x2: {  	s1 =	rddreg [dreg:$0x1]  }
0x3: {  	s2 =	rddreg [dreg:$0x2];
	s3 =	simm.s32 $0x0;
	s4 =	srdreg.scid  }
0x4: {  	s5 =	stileid.u32;
	s12 =	simm.s32 $0x20000;
	s13 =	simm.s32 $0x1000  }
0x5: {  	s14 =	simm.s32 $0x4000;
	s16 =	simm.s32 $0x4;
	s17 =	simm.s32 $0x1  }
0x6: {  	s18 =	simm.s32 $0x2;
	s19 =	simm.s32 $0x7280;
	s20 =	simm.s32 $0x3  }
0x7: {  	[smem:$0x7FF] =	sst s3;
	s4 =	sand.u32 $0x1, s4;
	s5 =	sshll.u32 s5, $0x1  }
0x8: {  	s22 =	simm.s32 $0x0;
	_ =	strace $0x80000047;
	s5 =	sor.u32 s4, s5  }
0x9: {  	s6 =	ssub.s32 $0x2, s4;
	s4 =	sadd.s32 $0x400, s2;
	s7 =	sshll.u32 s5, $0x4  }
.Ltmp0:
0xa: {  	s8 =	sshrl.u32 s6, $0x1;
	s30 =	sshll.u32 s5, $0x9;
	(pc) =	sbr.rel .LBB2_1-.Ltmp0, $4  }
0xb: {  	s9 =	sshll.u32 s5, $0xC;
	s2 =	sadd.s32 s7, s2;
	s11 =	ssub.s32 s6, s8  }
0xc: {  	s0 =	sadd.s32 s30, s0;
	s31 =	sadd.s32 s30, s1;
	s8 =	sor.u32 $0x48C0000, s9  }
0xd: {  	s9 =	sor.u32 $0x4920000, s9;
	s5 =	sadd.s32 $0x60000, s0;
	s6 =	sadd.s32 $0x900000, s31  }
0xe: {  	v0 =	vimm.f32 $0.0e+00;
	s7 =	sadd.s32 $0x90C000, s31;
	s10 =	sadd.s32 $0x600, s2;
	s11 =	smax.u32 s11, $0x1  }
.LBB2_8:
0xf: {  	v1 =	vld [tilespmem:$0x7280]  }
0x10: {  	v2 =	vld [tilespmem:$0x7000]  }
0x11: {  	v3 =	vld [tilespmem:$0x7290]  }
0x12: {  	v4 =	vld [tilespmem:$0x7010]  }
0x13: {  	v5 =	vld [tilespmem:$0x72A0]  }
0x14: {  	v6 =	vld [tilespmem:$0x7020]  }
0x15: {  	v7 =	vld [tilespmem:$0x72B0]  }
0x16: {  	v8 =	vld [tilespmem:$0x7030]  }
0x17: {  	v9 =	vld [tilespmem:$0x72C0]  }
0x18: {  	v10 =	vld [tilespmem:$0x7040]  }
0x19: {  	v11 =	vld [tilespmem:$0x72D0]  }
0x1a: {  	v12 =	vld [tilespmem:$0x7050]  }
0x1b: {  	v13 =	vld [tilespmem:$0x72E0]  }
0x1c: {  	v14 =	vld [tilespmem:$0x7060]  }
0x1d: {  	v15 =	vld [tilespmem:$0x72F0]  }
0x1e: {  	v16 =	vld [tilespmem:$0x7070]  }
0x1f: {  	v17 =	vld [tilespmem:$0x7300]  }
0x20: {  	v18 =	vld [tilespmem:$0x7080]  }
0x21: {  	v19 =	vld [tilespmem:$0x7310]  }
0x22: {  	v20 =	vld [tilespmem:$0x7090]  }
0x23: {  	v21 =	vld [tilespmem:$0x7320]  }
0x24: {  	v22 =	vld [tilespmem:$0x70A0]  }
0x25: {  	v23 =	vld [tilespmem:$0x7330]  }
0x26: {  	v24 =	vld [tilespmem:$0x70B0]  }
0x27: {  	v25 =	vld [tilespmem:$0x7340]  }
0x28: {  	v26 =	vld [tilespmem:$0x70C0]  }
0x29: {  	v27 =	vld [tilespmem:$0x7350]  }
0x2a: {  	v28 =	vld [tilespmem:$0x70D0]  }
0x2b: {  	v29 =	vld [tilespmem:$0x7360]  }
0x2c: {  	v30 =	vld [tilespmem:$0x70E0]  }
0x2d: {  	v31 =	vld [tilespmem:$0x7370]  }
0x2e: {  	v32 =	vld [tilespmem:$0x70F0]  }
0x2f: {  	v33 =	vld [tilespmem:$0x7380]  }
0x30: {  	v34 =	vld [tilespmem:$0x7100]  }
0x31: {  	v35 =	vld [tilespmem:$0x7390]  }
0x32: {  	v36 =	vld [tilespmem:$0x7110]  }
0x33: {  	v37 =	vld [tilespmem:$0x73A0]  }
0x34: {  	v38 =	vld [tilespmem:$0x7120]  }
0x35: {  	v39 =	vld [tilespmem:$0x73B0]  }
0x36: {  	v40 =	vld [tilespmem:$0x7130]  }
0x37: {  	v41 =	vld [tilespmem:$0x73C0]  }
0x38: {  	v49 =	vld [tilespmem:$0x73F0]  }
0x39: {  	v51 =	vld [tilespmem:$0x7170];
	v1 =	vmul.f32 v2, v1;
	v3 =	vmul.f32 v4, v3  }
0x3a: {  	v53 =	vld [tilespmem:$0x7400];
	v5 =	vmul.f32 v6, v5  }
0x3b: {  	v55 =	vld [tilespmem:$0x7180];
	v7 =	vmul.f32 v8, v7;
	v1 =	vadd.f32 $0.0e+00, v1;
	v3 =	vadd.f32 $0.0e+00, v3  }
0x3c: {  	v57 =	vld [tilespmem:$0x7410];
	v47 =	vmul.f32 v10, v9  }
0x3d: {  	v59 =	vld [tilespmem:$0x7190];
	v48 =	vmul.f32 v12, v11;
	v1 =	vadd.f32 v5, v1;
	v3 =	vadd.f32 v7, v3  }
0x3e: {  	v61 =	vld [tilespmem:$0x7420];
	v50 =	vmul.f32 v14, v13  }
0x3f: {  	v63 =	vld [tilespmem:$0x71A0];
	v52 =	vmul.f32 v16, v15;
	v1 =	vadd.f32 v47, v1;
	v3 =	vadd.f32 v48, v3  }
0x40: {  	v43 =	vld [tilespmem:$0x71D0];
	v54 =	vmul.f32 v18, v17  }
0x41: {  	v45 =	vld [tilespmem:$0x7460];
	v56 =	vmul.f32 v20, v19;
	v1 =	vadd.f32 v50, v1;
	v3 =	vadd.f32 v52, v3  }
0x42: {  	v46 =	vld [tilespmem:$0x71E0];
	v58 =	vmul.f32 v22, v21  }
0x43: {  	v2 =	vld [tilespmem:$0x7140];
	v60 =	vmul.f32 v24, v23;
	v1 =	vadd.f32 v54, v1;
	v3 =	vadd.f32 v56, v3  }
0x44: {  	v4 =	vld [tilespmem:$0x73D0];
	v62 =	vmul.f32 v26, v25  }
0x45: {  	v6 =	vld [tilespmem:$0x7150];
	v27 =	vmul.f32 v28, v27;
	v1 =	vadd.f32 v58, v1;
	v3 =	vadd.f32 v60, v3  }
0x46: {  	v8 =	vld [tilespmem:$0x73E0];
	v29 =	vmul.f32 v30, v29  }
0x47: {  	v9 =	vld [tilespmem:$0x7160];
	v31 =	vmul.f32 v32, v31;
	v1 =	vadd.f32 v62, v1;
	v3 =	vadd.f32 v27, v3  }
0x48: {  	v28 =	vld [tilespmem:$0x7430];
	v33 =	vmul.f32 v34, v33  }
0x49: {  	v30 =	vld [tilespmem:$0x71B0];
	v35 =	vmul.f32 v36, v35;
	v1 =	vadd.f32 v29, v1;
	v3 =	vadd.f32 v31, v3  }
0x4a: {  	v32 =	vld [tilespmem:$0x7440];
	v42 =	vmul.f32 v38, v37  }
0x4b: {  	v34 =	vld [tilespmem:$0x71C0];
	v44 =	vmul.f32 v40, v39;
	v1 =	vadd.f32 v33, v1;
	v3 =	vadd.f32 v35, v3  }
0x4c: {  	v36 =	vld [tilespmem:$0x7450];
	v49 =	vmul.f32 v51, v49;
	v2 =	vmul.f32 v2, v41  }
0x4d: {  	v51 =	vld [tilespmem:$0x7200];
	v4 =	vmul.f32 v6, v4;
	v1 =	vadd.f32 v42, v1;
	v3 =	vadd.f32 v44, v3  }
0x4e: {  	v47 =	vld [tilespmem:$0x7470]  }
0x4f: {  	v48 =	vld [tilespmem:$0x71F0];
	v1 =	vadd.f32 v2, v1;
	v2 =	vmul.f32 v9, v8;
	v3 =	vadd.f32 v4, v3  }
0x50: {  	v50 =	vld [tilespmem:$0x7480];
	v52 =	vmul.f32 v59, v57  }
0x51: {  	v57 =	vld [tilespmem:$0x7220];
	v1 =	vadd.f32 v2, v1;
	v2 =	vmul.f32 v55, v53;
	v3 =	vadd.f32 v49, v3  }
0x52: {  	v54 =	vld [tilespmem:$0x7210];
	v55 =	vmul.f32 v30, v28  }
0x53: {  	v53 =	vld [tilespmem:$0x7490];
	v1 =	vadd.f32 v2, v1;
	v2 =	vmul.f32 v63, v61;
	v3 =	vadd.f32 v52, v3  }
0x54: {  	v59 =	vld [tilespmem:$0x74B0];
	v58 =	vmul.f32 v43, v36  }
0x55: {  	v60 =	vld [tilespmem:$0x7230];
	v1 =	vadd.f32 v2, v1;
	v2 =	vmul.f32 v34, v32;
	v3 =	vadd.f32 v55, v3  }
0x56: {  	v56 =	vld [tilespmem:$0x74A0];
	v61 =	vmul.f32 v48, v47  }
0x57: {  	v1 =	vadd.f32 v2, v1;
	v2 =	vmul.f32 v46, v45;
	v3 =	vadd.f32 v58, v3  }
0x58: {  	v62 =	vmul.f32 v54, v53  }
0x59: {  	v1 =	vadd.f32 v2, v1;
	v2 =	vmul.f32 v51, v50;
	v3 =	vadd.f32 v61, v3  }
0x5a: {  	v63 =	vmul.f32 v60, v59  }
0x5b: {  	v1 =	vadd.f32 v2, v1;
	v2 =	vadd.f32 v62, v3;
	v3 =	vmul.f32 v57, v56;
	_ =	sdelay $0x1  }
0x5c: {  	v1 =	vadd.f32 v3, v1;
	v2 =	vadd.f32 v63, v2;
	_ =	sdelay $0x1  }
0x5d: {  	s22 =	sadd.s32 $0x1, s22;
	v1 =	vadd.f32 v2, v1  }
0x5e: {  	p0 =	sne.s32 s22, s11  }
.Ltmp1:
0x5f: {  	s0 =	simm.s32 $0x7500;
	[tilespmem:$0x7500] =	vst v1;
	(pc) =	sbr.rel @!p0 .LBB2_9-.Ltmp1, $4  }
0x60: {  	[hbm4b:s10+s3] =	stream.linear.scatter [tilespmem:s0], [sflag:$0x4], $0x80, $0x38;
	[tilespmem:$0x7580] =	vst v63  }
0x61: {  	_ =	swait.ge [sflag:s16], $0x80  }
0x62: {  	[sflag:s16] =	ssyncset.done $0x0  }
0x63: {  	[sflag:s16] =	ssyncadd.s32 $0xFFFFFF80  }
.LBB2_1:
0x64: {  	[tilespmem:s3], [sflag:$0x1] =	stream.linear.gather [hbm4b:s5+s3], $0x1000, $0x38;
	[tilespmem:$0x7580] =	vst v63  }
0x65: {  	_ = 	snop  }
0x66: {  	[tilespmem:s13], [sflag:$0x2] =	stream.strided.gather [hbm4b:s6+s13], $0x3000, s12, s13, $0x38;
	[tilespmem:$0x7580] =	vst v63  }
0x67: {  	_ = 	snop  }
0x68: {  	[tilespmem:s14], [sflag:$0x3] =	stream.strided.gather [hbm4b:s7+s13], $0x3000, s12, s13, $0x38;
	[tilespmem:$0x7580] =	vst v63  }
0x69: {  	s0 =	simm.s32 $0x7000  }
0x6a: {  	[tilespmem:s0], [sflag:$0x4] =	stream.linear.gather [hbm4b:s4+s3], $0x280, $0x38;
	[tilespmem:$0x7580] =	vst v63  }
0x6b: {  	_ =	swait.ge [sflag:s16], $0x280  }
0x6c: {  	[sflag:s16] =	ssyncset.done $0x0  }
0x6d: {  	[sflag:s16] =	ssyncadd.s32 $0xFFFFFD80  }
0x6e: {  	[tilespmem:$0x7280] =	vst v0  }
0x6f: {  	[tilespmem:$0x7290] =	vst v0  }
0x70: {  	[tilespmem:$0x72A0] =	vst v0  }
0x71: {  	[tilespmem:$0x72B0] =	vst v0  }
0x72: {  	[tilespmem:$0x72C0] =	vst v0  }
0x73: {  	[tilespmem:$0x72D0] =	vst v0  }
0x74: {  	[tilespmem:$0x72E0] =	vst v0  }
0x75: {  	[tilespmem:$0x72F0] =	vst v0  }
0x76: {  	[tilespmem:$0x7300] =	vst v0  }
0x77: {  	[tilespmem:$0x7310] =	vst v0  }
0x78: {  	[tilespmem:$0x7320] =	vst v0  }
0x79: {  	[tilespmem:$0x7330] =	vst v0  }
0x7a: {  	[tilespmem:$0x7340] =	vst v0  }
0x7b: {  	[tilespmem:$0x7350] =	vst v0  }
0x7c: {  	[tilespmem:$0x7360] =	vst v0  }
0x7d: {  	[tilespmem:$0x7370] =	vst v0  }
0x7e: {  	[tilespmem:$0x7380] =	vst v0  }
0x7f: {  	[tilespmem:$0x7390] =	vst v0  }
0x80: {  	[tilespmem:$0x73A0] =	vst v0  }
0x81: {  	[tilespmem:$0x73B0] =	vst v0  }
0x82: {  	[tilespmem:$0x73C0] =	vst v0  }
0x83: {  	[tilespmem:$0x73D0] =	vst v0  }
0x84: {  	[tilespmem:$0x73E0] =	vst v0  }
0x85: {  	[tilespmem:$0x73F0] =	vst v0  }
0x86: {  	[tilespmem:$0x7400] =	vst v0  }
0x87: {  	[tilespmem:$0x7410] =	vst v0  }
0x88: {  	[tilespmem:$0x7420] =	vst v0  }
0x89: {  	[tilespmem:$0x7430] =	vst v0  }
0x8a: {  	[tilespmem:$0x7440] =	vst v0  }
0x8b: {  	[tilespmem:$0x7450] =	vst v0  }
0x8c: {  	[tilespmem:$0x7460] =	vst v0  }
0x8d: {  	[tilespmem:$0x7470] =	vst v0  }
0x8e: {  	[tilespmem:$0x7480] =	vst v0  }
0x8f: {  	[tilespmem:$0x7490] =	vst v0  }
0x90: {  	[tilespmem:$0x74A0] =	vst v0  }
0x91: {  	[tilespmem:$0x74B0] =	vst v0  }
0x92: {  	_ =	swait.ge [sflag:s17], $0x1000  }
0x93: {  	[sflag:s17] =	ssyncset.done $0x0  }
0x94: {  	s23 =	simm.s32 $0x0;
	[sflag:s17] =	ssyncadd.s32 $0xFFFFF000  }
.LBB2_2:
0x95: {  	s0 =	sshll.u32 s23, $0x8;
	s2 =	simm.s32 $0x0  }
0x96: {  	_ =	swait.ge [sflag:s18], $0x3000;
	s24 =	sand.u32 $0x3FFFFF00, s0;
	s21 =	sand.u32 $0xC00, s2  }
0x97: {  	[sflag:s18] =	ssyncset.done $0x0;
	s15 =	sand.u32 $0x70, s2;
	s25 =	sadd.s32 s21, s24  }
0x98: {  	[sflag:s18] =	ssyncadd.s32 $0xFFFFD000;
	s25 =	sadd.s32 s15, s25  }
0x99: {  	v1 =	vld [tilespmem:s25+$0x0];
	_ =	sdelay $0x4  }
0x9a: {  	s29 =	sor.u32 s15, s21;
	v4 =	vmul.u32 $0x18, v1  }
0x9b: {  	v1 =	vld [tilespmem:s29+$0x1000];
	_ =	sdelay $0x4  }
0x9c: {  	[tilespmem:v4+s19+$0x0] =	vst.idx.add.f32.msk $0xffff, v1  }
0x9d: {  	v2 =	vor.u32 $0x1, v4;
	v1 =	vld [tilespmem:s29+$0x1080];
	_ =	sdelay $0x4  }
0x9e: {  	[tilespmem:v2+s19+$0x0] =	vst.idx.add.f32.msk $0xffff, v1  }
0x9f: {  	v2 =	vor.u32 $0x2, v4;
	v1 =	vld [tilespmem:s29+$0x1100];
	_ =	sdelay $0x4  }
0xa0: {  	[tilespmem:v2+s19+$0x0] =	vst.idx.add.f32.msk $0xffff, v1  }
0xa1: {  	v2 =	vor.u32 $0x3, v4;
	v1 =	vld [tilespmem:s29+$0x1180];
	_ =	sdelay $0x4  }
0xa2: {  	[tilespmem:v2+s19+$0x0] =	vst.idx.add.f32.msk $0xffff, v1  }
0xa3: {  	v2 =	vor.u32 $0x4, v4;
	v1 =	vld [tilespmem:s29+$0x1200];
	_ =	sdelay $0x4  }
0xa4: {  	[tilespmem:v2+s19+$0x0] =	vst.idx.add.f32.msk $0xffff, v1  }
0xa5: {  	v2 =	vor.u32 $0x5, v4;
	v1 =	vld [tilespmem:s29+$0x1280];
	_ =	sdelay $0x4  }
0xa6: {  	[tilespmem:v2+s19+$0x0] =	vst.idx.add.f32.msk $0xffff, v1  }
0xa7: {  	s15 =	simm.s32 $0x80;
	v2 =	vor.u32 $0x6, v4;
	v1 =	vld [tilespmem:s29+$0x1300]  }
0xa8: {  	s26 =	simm.s32 $0x10;
	s25 =	sand.u32 $0xC00, s15  }
0xa9: {  	s21 =	sand.u32 $0x70, s26;
	s28 =	sadd.s32 s25, s24  }
0xaa: {  	s28 =	sadd.s32 s21, s28  }
0xab: {  	s2 =	sor.u32 s2, s2;
	v3 =	vld [tilespmem:s28+$0x0]  }
0xac: {  	s2 =	sor.u32 $0x380, s2;
	[tilespmem:v2+s19+$0x0] =	vst.idx.add.f32.msk $0xffff, v1  }
0xad: {  	v5 =	vor.u32 $0x7, v4;
	v2 =	vld [tilespmem:s2+$0x1000];
	_ =	sdelay $0x2  }
0xae: {  	s25 =	sor.u32 s21, s25;
	v1 =	vmul.u32 $0x18, v3  }
0xaf: {  	v3 =	vld [tilespmem:s25+$0x1000]  }
0xb0: {  	[tilespmem:v5+s19+$0x0] =	vst.idx.add.f32.msk $0xffff, v2  }
0xb1: {  	v5 =	vadd.s32 $0x8, v4;
	v2 =	vld [tilespmem:s29+$0x2000];
	_ =	sdelay $0x2  }
0xb2: {  	[tilespmem:v1+s19+$0x0] =	vst.idx.add.f32.msk $0xffff, v3  }
0xb3: {  	v6 =	vor.u32 $0x1, v1;
	v3 =	vld [tilespmem:s25+$0x1080]  }
0xb4: {  	[tilespmem:v5+s19+$0x0] =	vst.idx.add.f32.msk $0xffff, v2  }
0xb5: {  	v5 =	vadd.s32 $0x9, v4;
	v2 =	vld [tilespmem:s29+$0x2080];
	_ =	sdelay $0x2  }
0xb6: {  	[tilespmem:v6+s19+$0x0] =	vst.idx.add.f32.msk $0xffff, v3  }
0xb7: {  	v6 =	vor.u32 $0x2, v1;
	v3 =	vld [tilespmem:s25+$0x1100]  }
0xb8: {  	[tilespmem:v5+s19+$0x0] =	vst.idx.add.f32.msk $0xffff, v2  }
0xb9: {  	v5 =	vadd.s32 $0xA, v4;
	v2 =	vld [tilespmem:s29+$0x2100];
	_ =	sdelay $0x2  }
0xba: {  	[tilespmem:v6+s19+$0x0] =	vst.idx.add.f32.msk $0xffff, v3  }
0xbb: {  	v6 =	vor.u32 $0x3, v1;
	v3 =	vld [tilespmem:s25+$0x1180]  }
0xbc: {  	[tilespmem:v5+s19+$0x0] =	vst.idx.add.f32.msk $0xffff, v2  }
0xbd: {  	v5 =	vadd.s32 $0xB, v4;
	v2 =	vld [tilespmem:s29+$0x2180];
	_ =	sdelay $0x2  }
0xbe: {  	[tilespmem:v6+s19+$0x0] =	vst.idx.add.f32.msk $0xffff, v3  }
0xbf: {  	v6 =	vor.u32 $0x4, v1;
	v3 =	vld [tilespmem:s25+$0x1200]  }
0xc0: {  	[tilespmem:v5+s19+$0x0] =	vst.idx.add.f32.msk $0xffff, v2  }
0xc1: {  	v5 =	vadd.s32 $0xC, v4;
	v2 =	vld [tilespmem:s29+$0x2200];
	_ =	sdelay $0x2  }
0xc2: {  	[tilespmem:v6+s19+$0x0] =	vst.idx.add.f32.msk $0xffff, v3  }
0xc3: {  	v6 =	vor.u32 $0x5, v1;
	v3 =	vld [tilespmem:s25+$0x1280]  }
0xc4: {  	[tilespmem:v5+s19+$0x0] =	vst.idx.add.f32.msk $0xffff, v2  }
0xc5: {  	v5 =	vadd.s32 $0xD, v4;
	v2 =	vld [tilespmem:s29+$0x2280];
	_ =	sdelay $0x2  }
0xc6: {  	s0 =	simm.s32 $0x100;
	[tilespmem:v6+s19+$0x0] =	vst.idx.add.f32.msk $0xffff, v3  }
0xc7: {  	s31 =	simm.s32 $0x20;
	s21 =	sand.u32 $0xC00, s0;
	v6 =	vor.u32 $0x6, v1;
	v3 =	vld [tilespmem:s25+$0x1300]  }
0xc8: {  	s28 =	sand.u32 $0x70, s31;
	s30 =	sadd.s32 s21, s24;
	[tilespmem:v5+s19+$0x0] =	vst.idx.add.f32.msk $0xffff, v2  }
0xc9: {  	s30 =	sadd.s32 s28, s30;
	v5 =	vadd.s32 $0xE, v4;
	v2 =	vld [tilespmem:s29+$0x2300]  }
0xca: {  	v7 =	vld [tilespmem:s30+$0x0]  }
0xcb: {  	s15 =	sor.u32 s15, s26  }
0xcc: {  	s15 =	sor.u32 $0x380, s15;
	[tilespmem:v6+s19+$0x0] =	vst.idx.add.f32.msk $0xffff, v3  }
0xcd: {  	v6 =	vor.u32 $0x7, v1;
	v3 =	vld [tilespmem:s15+$0x1000]  }
0xce: {  	[tilespmem:v5+s19+$0x0] =	vst.idx.add.f32.msk $0xffff, v2  }
0xcf: {  	s26 =	sor.u32 s28, s21;
	v8 =	vadd.s32 $0xF, v4;
	v2 =	vmul.u32 $0x18, v7;
	v5 =	vld [tilespmem:s29+$0x2380]  }
0xd0: {  	v7 =	vld [tilespmem:s26+$0x1000];
	_ =	sdelay $0x1  }
0xd1: {  	[tilespmem:v6+s19+$0x0] =	vst.idx.add.f32.msk $0xffff, v3  }
0xd2: {  	v3 =	vld [tilespmem:s25+$0x2000]  }
0xd3: {  	v6 =	vadd.s32 $0x8, v1;
	[tilespmem:v8+s19+$0x0] =	vst.idx.add.f32.msk $0xffff, v5  }
0xd4: {  	[tilespmem:v2+s19+$0x0] =	vst.idx.add.f32.msk $0xffff, v7  }
0xd5: {  	v8 =	vadd.s32 $0x10, v4;
	v5 =	vld [tilespmem:s29+$0x3000]  }
0xd6: {  	v9 =	vor.u32 $0x1, v2;
	v7 =	vld [tilespmem:s26+$0x1080];
	_ =	sdelay $0x1  }
0xd7: {  	[tilespmem:v6+s19+$0x0] =	vst.idx.add.f32.msk $0xffff, v3  }
0xd8: {  	v3 =	vld [tilespmem:s25+$0x2080]  }
0xd9: {  	v6 =	vadd.s32 $0x9, v1;
	[tilespmem:v8+s19+$0x0] =	vst.idx.add.f32.msk $0xffff, v5  }
0xda: {  	[tilespmem:v9+s19+$0x0] =	vst.idx.add.f32.msk $0xffff, v7  }
0xdb: {  	v8 =	vadd.s32 $0x11, v4;
	v5 =	vld [tilespmem:s29+$0x3080]  }
0xdc: {  	v9 =	vor.u32 $0x2, v2;
	v7 =	vld [tilespmem:s26+$0x1100];
	_ =	sdelay $0x1  }
0xdd: {  	[tilespmem:v6+s19+$0x0] =	vst.idx.add.f32.msk $0xffff, v3  }
0xde: {  	v3 =	vld [tilespmem:s25+$0x2100]  }
0xdf: {  	v6 =	vadd.s32 $0xA, v1;
	[tilespmem:v8+s19+$0x0] =	vst.idx.add.f32.msk $0xffff, v5  }
0xe0: {  	[tilespmem:v9+s19+$0x0] =	vst.idx.add.f32.msk $0xffff, v7  }
0xe1: {  	v8 =	vadd.s32 $0x12, v4;
	v5 =	vld [tilespmem:s29+$0x3100]  }
0xe2: {  	v9 =	vor.u32 $0x3, v2;
	v7 =	vld [tilespmem:s26+$0x1180];
	_ =	sdelay $0x1  }
0xe3: {  	[tilespmem:v6+s19+$0x0] =	vst.idx.add.f32.msk $0xffff, v3  }
0xe4: {  	v6 =	vadd.s32 $0xB, v1;
	v3 =	vld [tilespmem:s25+$0x2180]  }
0xe5: {  	[tilespmem:v8+s19+$0x0] =	vst.idx.add.f32.msk $0xffff, v5  }
0xe6: {  	[tilespmem:v9+s19+$0x0] =	vst.idx.add.f32.msk $0xffff, v7  }
0xe7: {  	v8 =	vadd.s32 $0x13, v4;
	v5 =	vld [tilespmem:s29+$0x3180]  }
0xe8: {  	v9 =	vor.u32 $0x4, v2;
	v7 =	vld [tilespmem:s26+$0x1200]  }
0xe9: {  	[tilespmem:v6+s19+$0x0] =	vst.idx.add.f32.msk $0xffff, v3  }
0xea: {  	v6 =	vadd.s32 $0xC, v1;
	v3 =	vld [tilespmem:s25+$0x2200];
	_ =	sdelay $0x1  }
0xeb: {  	[tilespmem:v8+s19+$0x0] =	vst.idx.add.f32.msk $0xffff, v5  }
0xec: {  	[tilespmem:v9+s19+$0x0] =	vst.idx.add.f32.msk $0xffff, v7  }
0xed: {  	v8 =	vadd.s32 $0x14, v4;
	v5 =	vld [tilespmem:s29+$0x3200]  }
0xee: {  	[tilespmem:v6+s19+$0x0] =	vst.idx.add.f32.msk $0xffff, v3  }
0xef: {  	v9 =	vor.u32 $0x5, v2;
	v7 =	vld [tilespmem:s26+$0x1280]  }
0xf0: {  	v6 =	vadd.s32 $0xD, v1;
	v3 =	vld [tilespmem:s25+$0x2280];
	_ =	sdelay $0x1  }
0xf1: {  	[tilespmem:v8+s19+$0x0] =	vst.idx.add.f32.msk $0xffff, v5  }
0xf2: {  	v8 =	vadd.s32 $0x15, v4;
	v5 =	vld [tilespmem:s29+$0x3280]  }
0xf3: {  	[tilespmem:v9+s19+$0x0] =	vst.idx.add.f32.msk $0xffff, v7  }
0xf4: {  	[tilespmem:v6+s19+$0x0] =	vst.idx.add.f32.msk $0xffff, v3  }
0xf5: {  	s30 =	simm.s32 $0x180;
	v9 =	vor.u32 $0x6, v2;
	v7 =	vld [tilespmem:s26+$0x1300]  }
0xf6: {  	s28 =	simm.s32 $0x30;
	s2 =	sand.u32 $0xC00, s30;
	v10 =	vadd.s32 $0xE, v1;
	v3 =	vld [tilespmem:s25+$0x2300]  }
0xf7: {  	s21 =	sadd.s32 s2, s24;
	s15 =	sand.u32 $0x70, s28;
	[tilespmem:v8+s19+$0x0] =	vst.idx.add.f32.msk $0xffff, v5  }
0xf8: {  	v11 =	vadd.s32 $0x16, v4;
	s21 =	sadd.s32 s15, s21;
	v5 =	vld [tilespmem:s29+$0x3300]  }
0xf9: {  	v8 =	vld [tilespmem:s21+$0x0]  }
0xfa: {  	s0 =	sor.u32 s0, s31;
	[tilespmem:v9+s19+$0x0] =	vst.idx.add.f32.msk $0xffff, v7  }
0xfb: {  	s0 =	sor.u32 $0x380, s0;
	[tilespmem:v10+s19+$0x0] =	vst.idx.add.f32.msk $0xffff, v3  }
0xfc: {  	v7 =	vor.u32 $0x7, v2;
	v6 =	vld [tilespmem:s0+$0x1000]  }
0xfd: {  	[tilespmem:v11+s19+$0x0] =	vst.idx.add.f32.msk $0xffff, v5  }
0xfe: {  	s31 =	simm.s32 $0x40;
	v4 =	vadd.s32 $0x17, v4;
	v3 =	vld [tilespmem:s29+$0x3380];
	s29 =	simm.s32 $0x180  }
.LBB2_3:
0xff: {  	p0 =	sne.s32 s31, $0x1F0;
	s0 =	sor.u32 s15, s2;
	v9 =	vld [tilespmem:s25+$0x2380];
	v10 =	vadd.s32 $0xF, v1  }
0x100: {  	v5 =	vmul.u32 $0x18, v8;
	v8 =	vld [tilespmem:s0+$0x1000]  }
0x101: {  	[tilespmem:v7+s19+$0x0] =	vst.idx.add.f32.msk $0xffff, v6  }
0x102: {  	v6 =	vld [tilespmem:s26+$0x2000]  }
0x103: {  	v7 =	vadd.s32 $0x8, v2;
	[tilespmem:v4+s19+$0x0] =	vst.idx.add.f32.msk $0xffff, v3  }
0x104: {  	[tilespmem:v10+s19+$0x0] =	vst.idx.add.f32.msk $0xffff, v9  }
0x105: {  	v4 =	vadd.s32 $0x10, v1;
	v3 =	vld [tilespmem:s25+$0x3000]  }
0x106: {  	[tilespmem:v5+s19+$0x0] =	vst.idx.add.f32.msk $0xffff, v8  }
0x107: {  	v9 =	vor.u32 $0x1, v5;
	v8 =	vld [tilespmem:s0+$0x1080]  }
0x108: {  	[tilespmem:v7+s19+$0x0] =	vst.idx.add.f32.msk $0xffff, v6  }
0x109: {  	v7 =	vadd.s32 $0x9, v2;
	v6 =	vld [tilespmem:s26+$0x2080]  }
0x10a: {  	[tilespmem:v4+s19+$0x0] =	vst.idx.add.f32.msk $0xffff, v3  }
0x10b: {  	v4 =	vadd.s32 $0x11, v1;
	v3 =	vld [tilespmem:s25+$0x3080]  }
0x10c: {  	[tilespmem:v9+s19+$0x0] =	vst.idx.add.f32.msk $0xffff, v8  }
0x10d: {  	v9 =	vor.u32 $0x2, v5;
	v8 =	vld [tilespmem:s0+$0x1100]  }
0x10e: {  	[tilespmem:v7+s19+$0x0] =	vst.idx.add.f32.msk $0xffff, v6  }
0x10f: {  	v7 =	vadd.s32 $0xA, v2;
	v6 =	vld [tilespmem:s26+$0x2100]  }
0x110: {  	[tilespmem:v4+s19+$0x0] =	vst.idx.add.f32.msk $0xffff, v3  }
0x111: {  	v4 =	vadd.s32 $0x12, v1;
	v3 =	vld [tilespmem:s25+$0x3100]  }
0x112: {  	[tilespmem:v9+s19+$0x0] =	vst.idx.add.f32.msk $0xffff, v8  }
0x113: {  	v9 =	vor.u32 $0x3, v5;
	v8 =	vld [tilespmem:s0+$0x1180]  }
0x114: {  	[tilespmem:v7+s19+$0x0] =	vst.idx.add.f32.msk $0xffff, v6  }
0x115: {  	v7 =	vadd.s32 $0xB, v2;
	v6 =	vld [tilespmem:s26+$0x2180]  }
0x116: {  	[tilespmem:v4+s19+$0x0] =	vst.idx.add.f32.msk $0xffff, v3  }
0x117: {  	v4 =	vadd.s32 $0x13, v1;
	v3 =	vld [tilespmem:s25+$0x3180]  }
0x118: {  	[tilespmem:v9+s19+$0x0] =	vst.idx.add.f32.msk $0xffff, v8  }
0x119: {  	v9 =	vor.u32 $0x4, v5;
	v8 =	vld [tilespmem:s0+$0x1200]  }
0x11a: {  	[tilespmem:v7+s19+$0x0] =	vst.idx.add.f32.msk $0xffff, v6  }
0x11b: {  	v7 =	vadd.s32 $0xC, v2;
	v6 =	vld [tilespmem:s26+$0x2200]  }
0x11c: {  	[tilespmem:v4+s19+$0x0] =	vst.idx.add.f32.msk $0xffff, v3  }
0x11d: {  	v4 =	vadd.s32 $0x14, v1;
	v3 =	vld [tilespmem:s25+$0x3200]  }
0x11e: {  	[tilespmem:v9+s19+$0x0] =	vst.idx.add.f32.msk $0xffff, v8  }
0x11f: {  	v9 =	vor.u32 $0x5, v5;
	v8 =	vld [tilespmem:s0+$0x1280]  }
0x120: {  	[tilespmem:v7+s19+$0x0] =	vst.idx.add.f32.msk $0xffff, v6  }
0x121: {  	v7 =	vadd.s32 $0xD, v2;
	v6 =	vld [tilespmem:s26+$0x2280]  }
0x122: {  	[tilespmem:v4+s19+$0x0] =	vst.idx.add.f32.msk $0xffff, v3  }
0x123: {  	v4 =	vadd.s32 $0x15, v1;
	v3 =	vld [tilespmem:s25+$0x3280]  }
0x124: {  	[tilespmem:v9+s19+$0x0] =	vst.idx.add.f32.msk $0xffff, v8  }
0x125: {  	v9 =	vld [tilespmem:s0+$0x1300]  }
0x126: {  	s30 =	sadd.s32 $0x80, s30;
	v10 =	vor.u32 $0x6, v5;
	[tilespmem:v7+s19+$0x0] =	vst.idx.add.f32.msk $0xffff, v6  }
0x127: {  	s2 =	sand.u32 $0xC00, s30;
	v11 =	vld [tilespmem:s26+$0x2300]  }
0x128: {  	s15 =	sand.u32 $0x70, s31;
	v12 =	vadd.s32 $0xE, v2;
	s21 =	sadd.s32 s2, s24;
	[tilespmem:v4+s19+$0x0] =	vst.idx.add.f32.msk $0xffff, v3  }
0x129: {  	s21 =	sadd.s32 s15, s21;
	v4 =	vadd.s32 $0x16, v1;
	v3 =	vld [tilespmem:s25+$0x3300]  }
0x12a: {  	v8 =	vld [tilespmem:s21+$0x0];
	s21 =	sor.u32 s29, s28;
	s29 =	smov.u32 s30;
	s28 =	smov.u32 s31  }
.Ltmp2:
0x12b: {  	[tilespmem:v10+s19+$0x0] =	vst.idx.add.f32.msk $0xffff, v9;
	s21 =	sor.u32 $0x380, s21;
	(pc) =	sbr.rel @p0 .LBB2_3-.Ltmp2, $4  }
0x12c: {  	v6 =	vld [tilespmem:s21+$0x1000]  }
0x12d: {  	v7 =	vor.u32 $0x7, v5;
	[tilespmem:v12+s19+$0x0] =	vst.idx.add.f32.msk $0xffff, v11  }
0x12e: {  	[tilespmem:v4+s19+$0x0] =	vst.idx.add.f32.msk $0xffff, v3  }
0x12f: {  	s31 =	sadd.s32 $0x10, s31;
	v4 =	vadd.s32 $0x17, v1;
	v1 =	vmov v2;
	v2 =	vmov v5;
	v3 =	vld [tilespmem:s25+$0x3380];
	s25 =	smov.u32 s26;
	s26 =	smov.u32 s0  }
0x130: {  	s30 =	sor.u32 s15, s2;
	v5 =	vmul.u32 $0x18, v8  }
0x131: {  	v8 =	vld [tilespmem:s30+$0x1000];
	_ =	sdelay $0x4  }
0x132: {  	[tilespmem:v5+s19+$0x0] =	vst.idx.add.f32.msk $0xffff, v8  }
0x133: {  	v9 =	vor.u32 $0x1, v5;
	v8 =	vld [tilespmem:s30+$0x1080];
	_ =	sdelay $0x4  }
0x134: {  	[tilespmem:v9+s19+$0x0] =	vst.idx.add.f32.msk $0xffff, v8  }
0x135: {  	v9 =	vor.u32 $0x2, v5;
	v8 =	vld [tilespmem:s30+$0x1100];
	_ =	sdelay $0x4  }
0x136: {  	[tilespmem:v9+s19+$0x0] =	vst.idx.add.f32.msk $0xffff, v8  }
0x137: {  	v9 =	vor.u32 $0x3, v5;
	v8 =	vld [tilespmem:s30+$0x1180];
	_ =	sdelay $0x4  }
0x138: {  	[tilespmem:v9+s19+$0x0] =	vst.idx.add.f32.msk $0xffff, v8  }
0x139: {  	v9 =	vor.u32 $0x4, v5;
	v8 =	vld [tilespmem:s30+$0x1200];
	_ =	sdelay $0x4  }
0x13a: {  	[tilespmem:v9+s19+$0x0] =	vst.idx.add.f32.msk $0xffff, v8  }
0x13b: {  	v9 =	vor.u32 $0x5, v5;
	v8 =	vld [tilespmem:s30+$0x1280];
	_ =	sdelay $0x4  }
0x13c: {  	[tilespmem:v9+s19+$0x0] =	vst.idx.add.f32.msk $0xffff, v8  }
0x13d: {  	v9 =	vor.u32 $0x6, v5;
	v8 =	vld [tilespmem:s30+$0x1300];
	_ =	sdelay $0x3  }
0x13e: {  	s0 =	sor.u32 s29, s28  }
0x13f: {  	s0 =	sor.u32 $0x380, s0;
	[tilespmem:v9+s19+$0x0] =	vst.idx.add.f32.msk $0xffff, v8  }
0x140: {  	v9 =	vor.u32 $0x7, v5;
	v8 =	vld [tilespmem:s0+$0x1000];
	_ =	sdelay $0x2  }
0x141: {  	[tilespmem:v7+s19+$0x0] =	vst.idx.add.f32.msk $0xffff, v6  }
0x142: {  	v7 =	vadd.s32 $0x8, v2;
	v6 =	vld [tilespmem:s26+$0x2000]  }
0x143: {  	[tilespmem:v9+s19+$0x0] =	vst.idx.add.f32.msk $0xffff, v8  }
0x144: {  	v9 =	vadd.s32 $0x8, v5;
	v8 =	vld [tilespmem:s30+$0x2000];
	_ =	sdelay $0x2  }
0x145: {  	[tilespmem:v7+s19+$0x0] =	vst.idx.add.f32.msk $0xffff, v6  }
0x146: {  	v7 =	vadd.s32 $0x9, v2;
	v6 =	vld [tilespmem:s26+$0x2080]  }
0x147: {  	[tilespmem:v9+s19+$0x0] =	vst.idx.add.f32.msk $0xffff, v8  }
0x148: {  	v9 =	vadd.s32 $0x9, v5;
	v8 =	vld [tilespmem:s30+$0x2080];
	_ =	sdelay $0x2  }
0x149: {  	[tilespmem:v7+s19+$0x0] =	vst.idx.add.f32.msk $0xffff, v6  }
0x14a: {  	v7 =	vadd.s32 $0xA, v2;
	v6 =	vld [tilespmem:s26+$0x2100]  }
0x14b: {  	[tilespmem:v9+s19+$0x0] =	vst.idx.add.f32.msk $0xffff, v8  }
0x14c: {  	v9 =	vadd.s32 $0xA, v5;
	v8 =	vld [tilespmem:s30+$0x2100];
	_ =	sdelay $0x2  }
0x14d: {  	[tilespmem:v7+s19+$0x0] =	vst.idx.add.f32.msk $0xffff, v6  }
0x14e: {  	v7 =	vadd.s32 $0xB, v2;
	v6 =	vld [tilespmem:s26+$0x2180]  }
0x14f: {  	[tilespmem:v9+s19+$0x0] =	vst.idx.add.f32.msk $0xffff, v8  }
0x150: {  	v9 =	vadd.s32 $0xB, v5;
	v8 =	vld [tilespmem:s30+$0x2180];
	_ =	sdelay $0x2  }
0x151: {  	[tilespmem:v7+s19+$0x0] =	vst.idx.add.f32.msk $0xffff, v6  }
0x152: {  	v7 =	vadd.s32 $0xC, v2;
	v6 =	vld [tilespmem:s26+$0x2200]  }
0x153: {  	[tilespmem:v9+s19+$0x0] =	vst.idx.add.f32.msk $0xffff, v8  }
0x154: {  	v9 =	vadd.s32 $0xC, v5;
	v8 =	vld [tilespmem:s30+$0x2200];
	_ =	sdelay $0x2  }
0x155: {  	[tilespmem:v7+s19+$0x0] =	vst.idx.add.f32.msk $0xffff, v6  }
0x156: {  	v7 =	vadd.s32 $0xD, v2;
	v6 =	vld [tilespmem:s26+$0x2280]  }
0x157: {  	[tilespmem:v9+s19+$0x0] =	vst.idx.add.f32.msk $0xffff, v8  }
0x158: {  	v9 =	vadd.s32 $0xD, v5;
	v8 =	vld [tilespmem:s30+$0x2280];
	_ =	sdelay $0x2  }
0x159: {  	[tilespmem:v7+s19+$0x0] =	vst.idx.add.f32.msk $0xffff, v6  }
0x15a: {  	v7 =	vadd.s32 $0xE, v2;
	v6 =	vld [tilespmem:s26+$0x2300]  }
0x15b: {  	[tilespmem:v9+s19+$0x0] =	vst.idx.add.f32.msk $0xffff, v8  }
0x15c: {  	v9 =	vadd.s32 $0xE, v5;
	v8 =	vld [tilespmem:s30+$0x2300];
	_ =	sdelay $0x1  }
0x15d: {  	v10 =	vld [tilespmem:s25+$0x2380];
	v11 =	vadd.s32 $0xF, v1  }
0x15e: {  	[tilespmem:v7+s19+$0x0] =	vst.idx.add.f32.msk $0xffff, v6  }
0x15f: {  	v7 =	vadd.s32 $0xF, v2;
	v6 =	vld [tilespmem:s26+$0x2380]  }
0x160: {  	[tilespmem:v9+s19+$0x0] =	vst.idx.add.f32.msk $0xffff, v8  }
0x161: {  	v9 =	vadd.s32 $0xF, v5;
	v8 =	vld [tilespmem:s30+$0x2380]  }
0x162: {  	[tilespmem:v11+s19+$0x0] =	vst.idx.add.f32.msk $0xffff, v10  }
0x163: {  	v11 =	vadd.s32 $0x10, v1;
	v10 =	vld [tilespmem:s25+$0x3000]  }
0x164: {  	[tilespmem:v7+s19+$0x0] =	vst.idx.add.f32.msk $0xffff, v6  }
0x165: {  	v7 =	vadd.s32 $0x10, v2;
	v6 =	vld [tilespmem:s26+$0x3000]  }
0x166: {  	[tilespmem:v9+s19+$0x0] =	vst.idx.add.f32.msk $0xffff, v8  }
0x167: {  	v9 =	vadd.s32 $0x10, v5;
	v8 =	vld [tilespmem:s30+$0x3000]  }
0x168: {  	[tilespmem:v11+s19+$0x0] =	vst.idx.add.f32.msk $0xffff, v10  }
0x169: {  	v11 =	vadd.s32 $0x11, v1;
	v10 =	vld [tilespmem:s25+$0x3080]  }
0x16a: {  	[tilespmem:v7+s19+$0x0] =	vst.idx.add.f32.msk $0xffff, v6  }
0x16b: {  	v7 =	vadd.s32 $0x11, v2;
	v6 =	vld [tilespmem:s26+$0x3080]  }
0x16c: {  	[tilespmem:v9+s19+$0x0] =	vst.idx.add.f32.msk $0xffff, v8  }
0x16d: {  	v9 =	vadd.s32 $0x11, v5;
	v8 =	vld [tilespmem:s30+$0x3080]  }
0x16e: {  	[tilespmem:v11+s19+$0x0] =	vst.idx.add.f32.msk $0xffff, v10  }
0x16f: {  	v11 =	vadd.s32 $0x12, v1;
	v10 =	vld [tilespmem:s25+$0x3100]  }
0x170: {  	[tilespmem:v7+s19+$0x0] =	vst.idx.add.f32.msk $0xffff, v6  }
0x171: {  	v7 =	vadd.s32 $0x12, v2;
	v6 =	vld [tilespmem:s26+$0x3100]  }
0x172: {  	[tilespmem:v9+s19+$0x0] =	vst.idx.add.f32.msk $0xffff, v8  }
0x173: {  	v9 =	vadd.s32 $0x12, v5;
	v8 =	vld [tilespmem:s30+$0x3100]  }
0x174: {  	[tilespmem:v11+s19+$0x0] =	vst.idx.add.f32.msk $0xffff, v10  }
0x175: {  	v11 =	vadd.s32 $0x13, v1;
	v10 =	vld [tilespmem:s25+$0x3180]  }
0x176: {  	[tilespmem:v7+s19+$0x0] =	vst.idx.add.f32.msk $0xffff, v6  }
0x177: {  	v7 =	vadd.s32 $0x13, v2;
	v6 =	vld [tilespmem:s26+$0x3180]  }
0x178: {  	[tilespmem:v9+s19+$0x0] =	vst.idx.add.f32.msk $0xffff, v8  }
0x179: {  	v9 =	vadd.s32 $0x13, v5;
	v8 =	vld [tilespmem:s30+$0x3180]  }
0x17a: {  	[tilespmem:v11+s19+$0x0] =	vst.idx.add.f32.msk $0xffff, v10  }
0x17b: {  	v11 =	vadd.s32 $0x14, v1;
	v10 =	vld [tilespmem:s25+$0x3200]  }
0x17c: {  	[tilespmem:v7+s19+$0x0] =	vst.idx.add.f32.msk $0xffff, v6  }
0x17d: {  	v7 =	vadd.s32 $0x14, v2;
	v6 =	vld [tilespmem:s26+$0x3200]  }
0x17e: {  	[tilespmem:v9+s19+$0x0] =	vst.idx.add.f32.msk $0xffff, v8  }
0x17f: {  	v9 =	vadd.s32 $0x14, v5;
	v8 =	vld [tilespmem:s30+$0x3200]  }
0x180: {  	[tilespmem:v11+s19+$0x0] =	vst.idx.add.f32.msk $0xffff, v10  }
0x181: {  	v11 =	vadd.s32 $0x15, v1;
	v10 =	vld [tilespmem:s25+$0x3280]  }
0x182: {  	[tilespmem:v7+s19+$0x0] =	vst.idx.add.f32.msk $0xffff, v6  }
0x183: {  	v7 =	vadd.s32 $0x15, v2;
	v6 =	vld [tilespmem:s26+$0x3280]  }
0x184: {  	[tilespmem:v9+s19+$0x0] =	vst.idx.add.f32.msk $0xffff, v8  }
0x185: {  	v9 =	vadd.s32 $0x15, v5;
	v8 =	vld [tilespmem:s30+$0x3280]  }
0x186: {  	[tilespmem:v11+s19+$0x0] =	vst.idx.add.f32.msk $0xffff, v10  }
0x187: {  	v11 =	vadd.s32 $0x16, v1;
	v10 =	vld [tilespmem:s25+$0x3300]  }
0x188: {  	[tilespmem:v7+s19+$0x0] =	vst.idx.add.f32.msk $0xffff, v6  }
0x189: {  	v7 =	vadd.s32 $0x16, v2;
	v6 =	vld [tilespmem:s26+$0x3300]  }
0x18a: {  	[tilespmem:v9+s19+$0x0] =	vst.idx.add.f32.msk $0xffff, v8  }
0x18b: {  	v9 =	vadd.s32 $0x16, v5;
	v8 =	vld [tilespmem:s30+$0x3300]  }
0x18c: {  	[tilespmem:v11+s19+$0x0] =	vst.idx.add.f32.msk $0xffff, v10  }
0x18d: {  	v10 =	vld [tilespmem:s25+$0x3380]  }
0x18e: {  	[tilespmem:v7+s19+$0x0] =	vst.idx.add.f32.msk $0xffff, v6  }
0x18f: {  	v1 =	vadd.s32 $0x17, v1;
	v6 =	vld [tilespmem:s26+$0x3380]  }
0x190: {  	v2 =	vadd.s32 $0x17, v2;
	[tilespmem:v9+s19+$0x0] =	vst.idx.add.f32.msk $0xffff, v8  }
0x191: {  	p0 =	seq.s32 s23, $0x3;
	v5 =	vadd.s32 $0x17, v5;
	v7 =	vld [tilespmem:s30+$0x3380]  }
0x192: {  	s0 =	smul.u32 @!p0 $0xC0000, s23  }
0x193: {  	[tilespmem:v4+s19+$0x0] =	vst.idx.add.f32.msk $0xffff, v3  }
0x194: {  	s0 =	sadd.s32 @!p0 s8, s0;
	[tilespmem:v1+s19+$0x0] =	vst.idx.add.f32.msk $0xffff, v10  }
0x195: {  	s0 =	sshrl.u32 @!p0 s0, $0x3;
	[tilespmem:v2+s19+$0x0] =	vst.idx.add.f32.msk $0xffff, v6  }
0x196: {  	s2 =	simm.s32 @!p0 $0x20000;
	s15 =	simm.s32 @!p0 $0x1000;
	s0 =	sadd.s32 @!p0 s1, s0;
	[tilespmem:v5+s19+$0x0] =	vst.idx.add.f32.msk $0xffff, v7  }
0x197: {  	[tilespmem:s15], [sflag:$0x2] =	stream.strided.gather @!p0 [hbm4b:s0+s15], $0x3000, s2, s15, $0x38;
	[tilespmem:$0x7580] =	vst v63  }
0x198: {  	s0 =	simm.s32 $0x0  }
0x199: {  	_ =	swait.ge [sflag:s20], $0x3000;
	s25 =	sand.u32 $0xC00, s0  }
0x19a: {  	s26 =	sand.u32 $0x70, s0;
	[sflag:s20] =	ssyncset.done $0x0;
	s21 =	sadd.s32 s25, s24  }
0x19b: {  	[sflag:s20] =	ssyncadd.s32 $0xFFFFD000;
	s21 =	sadd.s32 s26, s21  }
0x19c: {  	v1 =	vld [tilespmem:s21+$0x80];
	_ =	sdelay $0x4  }
0x19d: {  	s29 =	sor.u32 s26, s25;
	v4 =	vmul.u32 $0x18, v1  }
0x19e: {  	v1 =	vld [tilespmem:s29+$0x4000];
	_ =	sdelay $0x4  }
0x19f: {  	[tilespmem:v4+s19+$0x0] =	vst.idx.add.f32.msk $0xffff, v1  }
0x1a0: {  	v2 =	vor.u32 $0x1, v4;
	v1 =	vld [tilespmem:s29+$0x4080];
	_ =	sdelay $0x4  }
0x1a1: {  	[tilespmem:v2+s19+$0x0] =	vst.idx.add.f32.msk $0xffff, v1  }
0x1a2: {  	v2 =	vor.u32 $0x2, v4;
	v1 =	vld [tilespmem:s29+$0x4100];
	_ =	sdelay $0x4  }
0x1a3: {  	[tilespmem:v2+s19+$0x0] =	vst.idx.add.f32.msk $0xffff, v1  }
0x1a4: {  	v2 =	vor.u32 $0x3, v4;
	v1 =	vld [tilespmem:s29+$0x4180];
	_ =	sdelay $0x4  }
0x1a5: {  	[tilespmem:v2+s19+$0x0] =	vst.idx.add.f32.msk $0xffff, v1  }
0x1a6: {  	v2 =	vor.u32 $0x4, v4;
	v1 =	vld [tilespmem:s29+$0x4200];
	_ =	sdelay $0x4  }
0x1a7: {  	[tilespmem:v2+s19+$0x0] =	vst.idx.add.f32.msk $0xffff, v1  }
0x1a8: {  	v2 =	vor.u32 $0x5, v4;
	v1 =	vld [tilespmem:s29+$0x4280];
	_ =	sdelay $0x4  }
0x1a9: {  	[tilespmem:v2+s19+$0x0] =	vst.idx.add.f32.msk $0xffff, v1  }
0x1aa: {  	s2 =	simm.s32 $0x80;
	v2 =	vor.u32 $0x6, v4;
	v1 =	vld [tilespmem:s29+$0x4300]  }
0x1ab: {  	s15 =	simm.s32 $0x10;
	s21 =	sand.u32 $0xC00, s2  }
0x1ac: {  	s25 =	sand.u32 $0x70, s15;
	s26 =	sadd.s32 s21, s24  }
0x1ad: {  	s26 =	sadd.s32 s25, s26  }
0x1ae: {  	s0 =	sor.u32 s0, s0;
	v3 =	vld [tilespmem:s26+$0x80]  }
0x1af: {  	s0 =	sor.u32 $0x380, s0;
	[tilespmem:v2+s19+$0x0] =	vst.idx.add.f32.msk $0xffff, v1  }
0x1b0: {  	v5 =	vor.u32 $0x7, v4;
	v2 =	vld [tilespmem:s0+$0x4000];
	_ =	sdelay $0x2  }
0x1b1: {  	s25 =	sor.u32 s25, s21;
	v1 =	vmul.u32 $0x18, v3  }
0x1b2: {  	v3 =	vld [tilespmem:s25+$0x4000]  }
0x1b3: {  	[tilespmem:v5+s19+$0x0] =	vst.idx.add.f32.msk $0xffff, v2  }
0x1b4: {  	v5 =	vadd.s32 $0x8, v4;
	v2 =	vld [tilespmem:s29+$0x5000];
	_ =	sdelay $0x2  }
0x1b5: {  	[tilespmem:v1+s19+$0x0] =	vst.idx.add.f32.msk $0xffff, v3  }
0x1b6: {  	v6 =	vor.u32 $0x1, v1;
	v3 =	vld [tilespmem:s25+$0x4080]  }
0x1b7: {  	[tilespmem:v5+s19+$0x0] =	vst.idx.add.f32.msk $0xffff, v2  }
0x1b8: {  	v5 =	vadd.s32 $0x9, v4;
	v2 =	vld [tilespmem:s29+$0x5080];
	_ =	sdelay $0x2  }
0x1b9: {  	[tilespmem:v6+s19+$0x0] =	vst.idx.add.f32.msk $0xffff, v3  }
0x1ba: {  	v6 =	vor.u32 $0x2, v1;
	v3 =	vld [tilespmem:s25+$0x4100]  }
0x1bb: {  	[tilespmem:v5+s19+$0x0] =	vst.idx.add.f32.msk $0xffff, v2  }
0x1bc: {  	v5 =	vadd.s32 $0xA, v4;
	v2 =	vld [tilespmem:s29+$0x5100];
	_ =	sdelay $0x2  }
0x1bd: {  	[tilespmem:v6+s19+$0x0] =	vst.idx.add.f32.msk $0xffff, v3  }
0x1be: {  	v6 =	vor.u32 $0x3, v1;
	v3 =	vld [tilespmem:s25+$0x4180]  }
0x1bf: {  	[tilespmem:v5+s19+$0x0] =	vst.idx.add.f32.msk $0xffff, v2  }
0x1c0: {  	v5 =	vadd.s32 $0xB, v4;
	v2 =	vld [tilespmem:s29+$0x5180];
	_ =	sdelay $0x2  }
0x1c1: {  	[tilespmem:v6+s19+$0x0] =	vst.idx.add.f32.msk $0xffff, v3  }
0x1c2: {  	v6 =	vor.u32 $0x4, v1;
	v3 =	vld [tilespmem:s25+$0x4200]  }
0x1c3: {  	[tilespmem:v5+s19+$0x0] =	vst.idx.add.f32.msk $0xffff, v2  }
0x1c4: {  	v5 =	vadd.s32 $0xC, v4;
	v2 =	vld [tilespmem:s29+$0x5200];
	_ =	sdelay $0x2  }
0x1c5: {  	[tilespmem:v6+s19+$0x0] =	vst.idx.add.f32.msk $0xffff, v3  }
0x1c6: {  	v6 =	vor.u32 $0x5, v1;
	v3 =	vld [tilespmem:s25+$0x4280]  }
0x1c7: {  	[tilespmem:v5+s19+$0x0] =	vst.idx.add.f32.msk $0xffff, v2  }
0x1c8: {  	v5 =	vadd.s32 $0xD, v4;
	v2 =	vld [tilespmem:s29+$0x5280];
	_ =	sdelay $0x2  }
0x1c9: {  	s0 =	simm.s32 $0x100;
	[tilespmem:v6+s19+$0x0] =	vst.idx.add.f32.msk $0xffff, v3  }
0x1ca: {  	s31 =	simm.s32 $0x20;
	s21 =	sand.u32 $0xC00, s0;
	v6 =	vor.u32 $0x6, v1;
	v3 =	vld [tilespmem:s25+$0x4300]  }
0x1cb: {  	s26 =	sand.u32 $0x70, s31;
	s28 =	sadd.s32 s21, s24;
	[tilespmem:v5+s19+$0x0] =	vst.idx.add.f32.msk $0xffff, v2  }
0x1cc: {  	s28 =	sadd.s32 s26, s28;
	v5 =	vadd.s32 $0xE, v4;
	v2 =	vld [tilespmem:s29+$0x5300]  }
0x1cd: {  	v7 =	vld [tilespmem:s28+$0x80]  }
0x1ce: {  	s2 =	sor.u32 s2, s15  }
0x1cf: {  	s2 =	sor.u32 $0x380, s2;
	[tilespmem:v6+s19+$0x0] =	vst.idx.add.f32.msk $0xffff, v3  }
0x1d0: {  	v6 =	vor.u32 $0x7, v1;
	v3 =	vld [tilespmem:s2+$0x4000]  }
0x1d1: {  	[tilespmem:v5+s19+$0x0] =	vst.idx.add.f32.msk $0xffff, v2  }
0x1d2: {  	v8 =	vadd.s32 $0xF, v4;
	s26 =	sor.u32 s26, s21;
	v2 =	vmul.u32 $0x18, v7;
	v5 =	vld [tilespmem:s29+$0x5380]  }
0x1d3: {  	v7 =	vld [tilespmem:s26+$0x4000];
	_ =	sdelay $0x1  }
0x1d4: {  	[tilespmem:v6+s19+$0x0] =	vst.idx.add.f32.msk $0xffff, v3  }
0x1d5: {  	v3 =	vld [tilespmem:s25+$0x5000]  }
0x1d6: {  	v6 =	vadd.s32 $0x8, v1;
	[tilespmem:v8+s19+$0x0] =	vst.idx.add.f32.msk $0xffff, v5  }
0x1d7: {  	[tilespmem:v2+s19+$0x0] =	vst.idx.add.f32.msk $0xffff, v7  }
0x1d8: {  	v8 =	vadd.s32 $0x10, v4;
	v5 =	vld [tilespmem:s29+$0x6000]  }
0x1d9: {  	v9 =	vor.u32 $0x1, v2;
	v7 =	vld [tilespmem:s26+$0x4080];
	_ =	sdelay $0x1  }
0x1da: {  	[tilespmem:v6+s19+$0x0] =	vst.idx.add.f32.msk $0xffff, v3  }
0x1db: {  	v3 =	vld [tilespmem:s25+$0x5080]  }
0x1dc: {  	v6 =	vadd.s32 $0x9, v1;
	[tilespmem:v8+s19+$0x0] =	vst.idx.add.f32.msk $0xffff, v5  }
0x1dd: {  	[tilespmem:v9+s19+$0x0] =	vst.idx.add.f32.msk $0xffff, v7  }
0x1de: {  	v8 =	vadd.s32 $0x11, v4;
	v5 =	vld [tilespmem:s29+$0x6080]  }
0x1df: {  	v9 =	vor.u32 $0x2, v2;
	v7 =	vld [tilespmem:s26+$0x4100];
	_ =	sdelay $0x1  }
0x1e0: {  	[tilespmem:v6+s19+$0x0] =	vst.idx.add.f32.msk $0xffff, v3  }
0x1e1: {  	v3 =	vld [tilespmem:s25+$0x5100]  }
0x1e2: {  	v6 =	vadd.s32 $0xA, v1;
	[tilespmem:v8+s19+$0x0] =	vst.idx.add.f32.msk $0xffff, v5  }
0x1e3: {  	[tilespmem:v9+s19+$0x0] =	vst.idx.add.f32.msk $0xffff, v7  }
0x1e4: {  	v8 =	vadd.s32 $0x12, v4;
	v5 =	vld [tilespmem:s29+$0x6100]  }
0x1e5: {  	v9 =	vor.u32 $0x3, v2;
	v7 =	vld [tilespmem:s26+$0x4180];
	_ =	sdelay $0x1  }
0x1e6: {  	[tilespmem:v6+s19+$0x0] =	vst.idx.add.f32.msk $0xffff, v3  }
0x1e7: {  	v6 =	vadd.s32 $0xB, v1;
	v3 =	vld [tilespmem:s25+$0x5180]  }
0x1e8: {  	[tilespmem:v8+s19+$0x0] =	vst.idx.add.f32.msk $0xffff, v5  }
0x1e9: {  	[tilespmem:v9+s19+$0x0] =	vst.idx.add.f32.msk $0xffff, v7  }
0x1ea: {  	v8 =	vadd.s32 $0x13, v4;
	v5 =	vld [tilespmem:s29+$0x6180]  }
0x1eb: {  	v9 =	vor.u32 $0x4, v2;
	v7 =	vld [tilespmem:s26+$0x4200]  }
0x1ec: {  	[tilespmem:v6+s19+$0x0] =	vst.idx.add.f32.msk $0xffff, v3  }
0x1ed: {  	v6 =	vadd.s32 $0xC, v1;
	v3 =	vld [tilespmem:s25+$0x5200];
	_ =	sdelay $0x1  }
0x1ee: {  	[tilespmem:v8+s19+$0x0] =	vst.idx.add.f32.msk $0xffff, v5  }
0x1ef: {  	[tilespmem:v9+s19+$0x0] =	vst.idx.add.f32.msk $0xffff, v7  }
0x1f0: {  	v8 =	vadd.s32 $0x14, v4;
	v5 =	vld [tilespmem:s29+$0x6200]  }
0x1f1: {  	[tilespmem:v6+s19+$0x0] =	vst.idx.add.f32.msk $0xffff, v3  }
0x1f2: {  	v9 =	vor.u32 $0x5, v2;
	v7 =	vld [tilespmem:s26+$0x4280]  }
0x1f3: {  	v6 =	vadd.s32 $0xD, v1;
	v3 =	vld [tilespmem:s25+$0x5280];
	_ =	sdelay $0x1  }
0x1f4: {  	[tilespmem:v8+s19+$0x0] =	vst.idx.add.f32.msk $0xffff, v5  }
0x1f5: {  	v8 =	vadd.s32 $0x15, v4;
	v5 =	vld [tilespmem:s29+$0x6280]  }
0x1f6: {  	[tilespmem:v9+s19+$0x0] =	vst.idx.add.f32.msk $0xffff, v7  }
0x1f7: {  	[tilespmem:v6+s19+$0x0] =	vst.idx.add.f32.msk $0xffff, v3  }
0x1f8: {  	s30 =	simm.s32 $0x180;
	v9 =	vor.u32 $0x6, v2;
	v7 =	vld [tilespmem:s26+$0x4300]  }
0x1f9: {  	v10 =	vadd.s32 $0xE, v1;
	s28 =	simm.s32 $0x30;
	s2 =	sand.u32 $0xC00, s30;
	v3 =	vld [tilespmem:s25+$0x5300]  }
0x1fa: {  	s15 =	sand.u32 $0x70, s28;
	s21 =	sadd.s32 s2, s24;
	[tilespmem:v8+s19+$0x0] =	vst.idx.add.f32.msk $0xffff, v5  }
0x1fb: {  	v11 =	vadd.s32 $0x16, v4;
	s21 =	sadd.s32 s15, s21;
	v5 =	vld [tilespmem:s29+$0x6300]  }
0x1fc: {  	v8 =	vld [tilespmem:s21+$0x80]  }
0x1fd: {  	s0 =	sor.u32 s0, s31;
	[tilespmem:v9+s19+$0x0] =	vst.idx.add.f32.msk $0xffff, v7  }
0x1fe: {  	s0 =	sor.u32 $0x380, s0;
	[tilespmem:v10+s19+$0x0] =	vst.idx.add.f32.msk $0xffff, v3  }
0x1ff: {  	v7 =	vor.u32 $0x7, v2;
	v6 =	vld [tilespmem:s0+$0x4000]  }
0x200: {  	[tilespmem:v11+s19+$0x0] =	vst.idx.add.f32.msk $0xffff, v5  }
0x201: {  	s31 =	simm.s32 $0x40;
	v4 =	vadd.s32 $0x17, v4;
	v3 =	vld [tilespmem:s29+$0x6380];
	s29 =	simm.s32 $0x180  }
.LBB2_5:
0x202: {  	p1 =	sne.s32 s31, $0x1F0;
	s0 =	sor.u32 s15, s2;
	v9 =	vld [tilespmem:s25+$0x5380];
	v10 =	vadd.s32 $0xF, v1  }
0x203: {  	v5 =	vmul.u32 $0x18, v8;
	v8 =	vld [tilespmem:s0+$0x4000]  }
0x204: {  	[tilespmem:v7+s19+$0x0] =	vst.idx.add.f32.msk $0xffff, v6  }
0x205: {  	v6 =	vld [tilespmem:s26+$0x5000]  }
0x206: {  	v7 =	vadd.s32 $0x8, v2;
	[tilespmem:v4+s19+$0x0] =	vst.idx.add.f32.msk $0xffff, v3  }
0x207: {  	[tilespmem:v10+s19+$0x0] =	vst.idx.add.f32.msk $0xffff, v9  }
0x208: {  	v4 =	vadd.s32 $0x10, v1;
	v3 =	vld [tilespmem:s25+$0x6000]  }
0x209: {  	[tilespmem:v5+s19+$0x0] =	vst.idx.add.f32.msk $0xffff, v8  }
0x20a: {  	v9 =	vor.u32 $0x1, v5;
	v8 =	vld [tilespmem:s0+$0x4080]  }
0x20b: {  	[tilespmem:v7+s19+$0x0] =	vst.idx.add.f32.msk $0xffff, v6  }
0x20c: {  	v7 =	vadd.s32 $0x9, v2;
	v6 =	vld [tilespmem:s26+$0x5080]  }
0x20d: {  	[tilespmem:v4+s19+$0x0] =	vst.idx.add.f32.msk $0xffff, v3  }
0x20e: {  	v4 =	vadd.s32 $0x11, v1;
	v3 =	vld [tilespmem:s25+$0x6080]  }
0x20f: {  	[tilespmem:v9+s19+$0x0] =	vst.idx.add.f32.msk $0xffff, v8  }
0x210: {  	v9 =	vor.u32 $0x2, v5;
	v8 =	vld [tilespmem:s0+$0x4100]  }
0x211: {  	[tilespmem:v7+s19+$0x0] =	vst.idx.add.f32.msk $0xffff, v6  }
0x212: {  	v7 =	vadd.s32 $0xA, v2;
	v6 =	vld [tilespmem:s26+$0x5100]  }
0x213: {  	[tilespmem:v4+s19+$0x0] =	vst.idx.add.f32.msk $0xffff, v3  }
0x214: {  	v4 =	vadd.s32 $0x12, v1;
	v3 =	vld [tilespmem:s25+$0x6100]  }
0x215: {  	[tilespmem:v9+s19+$0x0] =	vst.idx.add.f32.msk $0xffff, v8  }
0x216: {  	v9 =	vor.u32 $0x3, v5;
	v8 =	vld [tilespmem:s0+$0x4180]  }
0x217: {  	[tilespmem:v7+s19+$0x0] =	vst.idx.add.f32.msk $0xffff, v6  }
0x218: {  	v7 =	vadd.s32 $0xB, v2;
	v6 =	vld [tilespmem:s26+$0x5180]  }
0x219: {  	[tilespmem:v4+s19+$0x0] =	vst.idx.add.f32.msk $0xffff, v3  }
0x21a: {  	v4 =	vadd.s32 $0x13, v1;
	v3 =	vld [tilespmem:s25+$0x6180]  }
0x21b: {  	[tilespmem:v9+s19+$0x0] =	vst.idx.add.f32.msk $0xffff, v8  }
0x21c: {  	v9 =	vor.u32 $0x4, v5;
	v8 =	vld [tilespmem:s0+$0x4200]  }
0x21d: {  	[tilespmem:v7+s19+$0x0] =	vst.idx.add.f32.msk $0xffff, v6  }
0x21e: {  	v7 =	vadd.s32 $0xC, v2;
	v6 =	vld [tilespmem:s26+$0x5200]  }
0x21f: {  	[tilespmem:v4+s19+$0x0] =	vst.idx.add.f32.msk $0xffff, v3  }
0x220: {  	v4 =	vadd.s32 $0x14, v1;
	v3 =	vld [tilespmem:s25+$0x6200]  }
0x221: {  	[tilespmem:v9+s19+$0x0] =	vst.idx.add.f32.msk $0xffff, v8  }
0x222: {  	v9 =	vor.u32 $0x5, v5;
	v8 =	vld [tilespmem:s0+$0x4280]  }
0x223: {  	[tilespmem:v7+s19+$0x0] =	vst.idx.add.f32.msk $0xffff, v6  }
0x224: {  	v7 =	vadd.s32 $0xD, v2;
	v6 =	vld [tilespmem:s26+$0x5280]  }
0x225: {  	[tilespmem:v4+s19+$0x0] =	vst.idx.add.f32.msk $0xffff, v3  }
0x226: {  	v4 =	vadd.s32 $0x15, v1;
	v3 =	vld [tilespmem:s25+$0x6280]  }
0x227: {  	[tilespmem:v9+s19+$0x0] =	vst.idx.add.f32.msk $0xffff, v8  }
0x228: {  	v9 =	vld [tilespmem:s0+$0x4300]  }
0x229: {  	s30 =	sadd.s32 $0x80, s30;
	v10 =	vor.u32 $0x6, v5;
	[tilespmem:v7+s19+$0x0] =	vst.idx.add.f32.msk $0xffff, v6  }
0x22a: {  	s2 =	sand.u32 $0xC00, s30;
	v11 =	vld [tilespmem:s26+$0x5300]  }
0x22b: {  	s15 =	sand.u32 $0x70, s31;
	v12 =	vadd.s32 $0xE, v2;
	s21 =	sadd.s32 s2, s24;
	[tilespmem:v4+s19+$0x0] =	vst.idx.add.f32.msk $0xffff, v3  }
0x22c: {  	s21 =	sadd.s32 s15, s21;
	v4 =	vadd.s32 $0x16, v1;
	v3 =	vld [tilespmem:s25+$0x6300]  }
0x22d: {  	v8 =	vld [tilespmem:s21+$0x80];
	s21 =	sor.u32 s29, s28;
	s29 =	smov.u32 s30;
	s28 =	smov.u32 s31  }
.Ltmp3:
0x22e: {  	[tilespmem:v10+s19+$0x0] =	vst.idx.add.f32.msk $0xffff, v9;
	s21 =	sor.u32 $0x380, s21;
	(pc) =	sbr.rel @p1 .LBB2_5-.Ltmp3, $4  }
0x22f: {  	v6 =	vld [tilespmem:s21+$0x4000]  }
0x230: {  	v7 =	vor.u32 $0x7, v5;
	[tilespmem:v12+s19+$0x0] =	vst.idx.add.f32.msk $0xffff, v11  }
0x231: {  	[tilespmem:v4+s19+$0x0] =	vst.idx.add.f32.msk $0xffff, v3  }
0x232: {  	s31 =	sadd.s32 $0x10, s31;
	v4 =	vadd.s32 $0x17, v1;
	v1 =	vmov v2;
	v2 =	vmov v5;
	v3 =	vld [tilespmem:s25+$0x6380];
	s25 =	smov.u32 s26;
	s26 =	smov.u32 s0  }
0x233: {  	s24 =	sor.u32 s15, s2;
	v5 =	vmul.u32 $0x18, v8  }
0x234: {  	v19 =	vld [tilespmem:s24+$0x4000];
	_ =	sdelay $0x4  }
0x235: {  	[tilespmem:v5+s19+$0x0] =	vst.idx.add.f32.msk $0xffff, v19  }
0x236: {  	v9 =	vor.u32 $0x1, v5;
	v8 =	vld [tilespmem:s24+$0x4080];
	_ =	sdelay $0x4  }
0x237: {  	[tilespmem:v9+s19+$0x0] =	vst.idx.add.f32.msk $0xffff, v8  }
0x238: {  	v20 =	vor.u32 $0x2, v5;
	v8 =	vld [tilespmem:s24+$0x4100];
	_ =	sdelay $0x4  }
0x239: {  	[tilespmem:v20+s19+$0x0] =	vst.idx.add.f32.msk $0xffff, v8  }
0x23a: {  	v21 =	vor.u32 $0x3, v5;
	v8 =	vld [tilespmem:s24+$0x4180];
	_ =	sdelay $0x4  }
0x23b: {  	[tilespmem:v21+s19+$0x0] =	vst.idx.add.f32.msk $0xffff, v8  }
0x23c: {  	v22 =	vor.u32 $0x4, v5;
	v8 =	vld [tilespmem:s24+$0x4200];
	_ =	sdelay $0x4  }
0x23d: {  	[tilespmem:v22+s19+$0x0] =	vst.idx.add.f32.msk $0xffff, v8  }
0x23e: {  	v23 =	vor.u32 $0x5, v5;
	v8 =	vld [tilespmem:s24+$0x4280];
	_ =	sdelay $0x4  }
0x23f: {  	[tilespmem:v23+s19+$0x0] =	vst.idx.add.f32.msk $0xffff, v8  }
0x240: {  	v24 =	vor.u32 $0x6, v5;
	v8 =	vld [tilespmem:s24+$0x4300];
	_ =	sdelay $0x3  }
0x241: {  	s0 =	sor.u32 s29, s28  }
0x242: {  	s0 =	sor.u32 $0x380, s0;
	[tilespmem:v24+s19+$0x0] =	vst.idx.add.f32.msk $0xffff, v8  }
0x243: {  	v25 =	vor.u32 $0x7, v5;
	v8 =	vld [tilespmem:s0+$0x4000];
	_ =	sdelay $0x2  }
0x244: {  	[tilespmem:v7+s19+$0x0] =	vst.idx.add.f32.msk $0xffff, v6  }
0x245: {  	v26 =	vadd.s32 $0x8, v2;
	v6 =	vld [tilespmem:s26+$0x5000]  }
0x246: {  	[tilespmem:v25+s19+$0x0] =	vst.idx.add.f32.msk $0xffff, v8  }
0x247: {  	v27 =	vadd.s32 $0x8, v5;
	v8 =	vld [tilespmem:s24+$0x5000];
	_ =	sdelay $0x2  }
0x248: {  	[tilespmem:v26+s19+$0x0] =	vst.idx.add.f32.msk $0xffff, v6  }
0x249: {  	v28 =	vadd.s32 $0x9, v2;
	v6 =	vld [tilespmem:s26+$0x5080]  }
0x24a: {  	[tilespmem:v27+s19+$0x0] =	vst.idx.add.f32.msk $0xffff, v8  }
0x24b: {  	v29 =	vadd.s32 $0x9, v5;
	v8 =	vld [tilespmem:s24+$0x5080];
	_ =	sdelay $0x2  }
0x24c: {  	[tilespmem:v28+s19+$0x0] =	vst.idx.add.f32.msk $0xffff, v6  }
0x24d: {  	v30 =	vadd.s32 $0xA, v2;
	v6 =	vld [tilespmem:s26+$0x5100]  }
0x24e: {  	[tilespmem:v29+s19+$0x0] =	vst.idx.add.f32.msk $0xffff, v8  }
0x24f: {  	v31 =	vadd.s32 $0xA, v5;
	v8 =	vld [tilespmem:s24+$0x5100];
	_ =	sdelay $0x2  }
0x250: {  	[tilespmem:v30+s19+$0x0] =	vst.idx.add.f32.msk $0xffff, v6  }
0x251: {  	v32 =	vadd.s32 $0xB, v2;
	v6 =	vld [tilespmem:s26+$0x5180]  }
0x252: {  	[tilespmem:v31+s19+$0x0] =	vst.idx.add.f32.msk $0xffff, v8  }
0x253: {  	v33 =	vadd.s32 $0xB, v5;
	v8 =	vld [tilespmem:s24+$0x5180];
	_ =	sdelay $0x2  }
0x254: {  	[tilespmem:v32+s19+$0x0] =	vst.idx.add.f32.msk $0xffff, v6  }
0x255: {  	v34 =	vadd.s32 $0xC, v2;
	v6 =	vld [tilespmem:s26+$0x5200]  }
0x256: {  	[tilespmem:v33+s19+$0x0] =	vst.idx.add.f32.msk $0xffff, v8  }
0x257: {  	v35 =	vadd.s32 $0xC, v5;
	v8 =	vld [tilespmem:s24+$0x5200];
	_ =	sdelay $0x2  }
0x258: {  	[tilespmem:v34+s19+$0x0] =	vst.idx.add.f32.msk $0xffff, v6  }
0x259: {  	v36 =	vadd.s32 $0xD, v2;
	v6 =	vld [tilespmem:s26+$0x5280]  }
0x25a: {  	[tilespmem:v35+s19+$0x0] =	vst.idx.add.f32.msk $0xffff, v8  }
0x25b: {  	v37 =	vadd.s32 $0xD, v5;
	v8 =	vld [tilespmem:s24+$0x5280];
	_ =	sdelay $0x2  }
0x25c: {  	[tilespmem:v36+s19+$0x0] =	vst.idx.add.f32.msk $0xffff, v6  }
0x25d: {  	v38 =	vadd.s32 $0xE, v2;
	v6 =	vld [tilespmem:s26+$0x5300]  }
0x25e: {  	[tilespmem:v37+s19+$0x0] =	vst.idx.add.f32.msk $0xffff, v8  }
0x25f: {  	v39 =	vadd.s32 $0xE, v5;
	v8 =	vld [tilespmem:s24+$0x5300];
	_ =	sdelay $0x1  }
0x260: {  	v10 =	vld [tilespmem:s25+$0x5380];
	v11 =	vadd.s32 $0xF, v1  }
0x261: {  	[tilespmem:v38+s19+$0x0] =	vst.idx.add.f32.msk $0xffff, v6  }
0x262: {  	v40 =	vadd.s32 $0xF, v2;
	v6 =	vld [tilespmem:s26+$0x5380]  }
0x263: {  	[tilespmem:v39+s19+$0x0] =	vst.idx.add.f32.msk $0xffff, v8  }
0x264: {  	v41 =	vadd.s32 $0xF, v5;
	v8 =	vld [tilespmem:s24+$0x5380]  }
0x265: {  	[tilespmem:v11+s19+$0x0] =	vst.idx.add.f32.msk $0xffff, v10  }
0x266: {  	v42 =	vadd.s32 $0x10, v1;
	v10 =	vld [tilespmem:s25+$0x6000]  }
0x267: {  	[tilespmem:v40+s19+$0x0] =	vst.idx.add.f32.msk $0xffff, v6  }
0x268: {  	v43 =	vadd.s32 $0x10, v2;
	v6 =	vld [tilespmem:s26+$0x6000]  }
0x269: {  	[tilespmem:v41+s19+$0x0] =	vst.idx.add.f32.msk $0xffff, v8  }
0x26a: {  	v44 =	vadd.s32 $0x10, v5;
	v8 =	vld [tilespmem:s24+$0x6000]  }
0x26b: {  	[tilespmem:v42+s19+$0x0] =	vst.idx.add.f32.msk $0xffff, v10  }
0x26c: {  	v45 =	vadd.s32 $0x11, v1;
	v10 =	vld [tilespmem:s25+$0x6080]  }
0x26d: {  	[tilespmem:v43+s19+$0x0] =	vst.idx.add.f32.msk $0xffff, v6  }
0x26e: {  	v46 =	vadd.s32 $0x11, v2;
	v6 =	vld [tilespmem:s26+$0x6080]  }
0x26f: {  	[tilespmem:v44+s19+$0x0] =	vst.idx.add.f32.msk $0xffff, v8  }
0x270: {  	v47 =	vadd.s32 $0x11, v5;
	v8 =	vld [tilespmem:s24+$0x6080]  }
0x271: {  	[tilespmem:v45+s19+$0x0] =	vst.idx.add.f32.msk $0xffff, v10  }
0x272: {  	v48 =	vadd.s32 $0x12, v1;
	v10 =	vld [tilespmem:s25+$0x6100]  }
0x273: {  	[tilespmem:v46+s19+$0x0] =	vst.idx.add.f32.msk $0xffff, v6  }
0x274: {  	v49 =	vadd.s32 $0x12, v2;
	v6 =	vld [tilespmem:s26+$0x6100]  }
0x275: {  	[tilespmem:v47+s19+$0x0] =	vst.idx.add.f32.msk $0xffff, v8  }
0x276: {  	v50 =	vadd.s32 $0x12, v5;
	v8 =	vld [tilespmem:s24+$0x6100]  }
0x277: {  	[tilespmem:v48+s19+$0x0] =	vst.idx.add.f32.msk $0xffff, v10  }
0x278: {  	v51 =	vadd.s32 $0x13, v1;
	v10 =	vld [tilespmem:s25+$0x6180]  }
0x279: {  	[tilespmem:v49+s19+$0x0] =	vst.idx.add.f32.msk $0xffff, v6  }
0x27a: {  	v52 =	vadd.s32 $0x13, v2;
	v6 =	vld [tilespmem:s26+$0x6180]  }
0x27b: {  	[tilespmem:v50+s19+$0x0] =	vst.idx.add.f32.msk $0xffff, v8  }
0x27c: {  	v53 =	vadd.s32 $0x13, v5;
	v8 =	vld [tilespmem:s24+$0x6180]  }
0x27d: {  	[tilespmem:v51+s19+$0x0] =	vst.idx.add.f32.msk $0xffff, v10  }
0x27e: {  	v54 =	vadd.s32 $0x14, v1;
	v10 =	vld [tilespmem:s25+$0x6200]  }
0x27f: {  	[tilespmem:v52+s19+$0x0] =	vst.idx.add.f32.msk $0xffff, v6  }
0x280: {  	v55 =	vadd.s32 $0x14, v2;
	v6 =	vld [tilespmem:s26+$0x6200]  }
0x281: {  	[tilespmem:v53+s19+$0x0] =	vst.idx.add.f32.msk $0xffff, v8  }
0x282: {  	v56 =	vadd.s32 $0x14, v5;
	v8 =	vld [tilespmem:s24+$0x6200]  }
0x283: {  	[tilespmem:v54+s19+$0x0] =	vst.idx.add.f32.msk $0xffff, v10  }
0x284: {  	v57 =	vadd.s32 $0x15, v1;
	v10 =	vld [tilespmem:s25+$0x6280]  }
0x285: {  	[tilespmem:v55+s19+$0x0] =	vst.idx.add.f32.msk $0xffff, v6  }
0x286: {  	v58 =	vadd.s32 $0x15, v2;
	v6 =	vld [tilespmem:s26+$0x6280]  }
0x287: {  	[tilespmem:v56+s19+$0x0] =	vst.idx.add.f32.msk $0xffff, v8  }
0x288: {  	v59 =	vadd.s32 $0x15, v5;
	v8 =	vld [tilespmem:s24+$0x6280]  }
0x289: {  	[tilespmem:v57+s19+$0x0] =	vst.idx.add.f32.msk $0xffff, v10  }
0x28a: {  	v60 =	vadd.s32 $0x16, v1;
	v10 =	vld [tilespmem:s25+$0x6300]  }
0x28b: {  	[tilespmem:v58+s19+$0x0] =	vst.idx.add.f32.msk $0xffff, v6  }
0x28c: {  	v61 =	vadd.s32 $0x16, v2;
	v6 =	vld [tilespmem:s26+$0x6300]  }
0x28d: {  	[tilespmem:v59+s19+$0x0] =	vst.idx.add.f32.msk $0xffff, v8  }
0x28e: {  	v62 =	vadd.s32 $0x16, v5;
	v8 =	vld [tilespmem:s24+$0x6300]  }
0x28f: {  	[tilespmem:v60+s19+$0x0] =	vst.idx.add.f32.msk $0xffff, v10  }
0x290: {  	v10 =	vld [tilespmem:s25+$0x6380]  }
0x291: {  	[tilespmem:v61+s19+$0x0] =	vst.idx.add.f32.msk $0xffff, v6  }
0x292: {  	v1 =	vadd.s32 $0x17, v1;
	v6 =	vld [tilespmem:s26+$0x6380]  }
0x293: {  	v2 =	vadd.s32 $0x17, v2;
	[tilespmem:v62+s19+$0x0] =	vst.idx.add.f32.msk $0xffff, v8  }
0x294: {  	v5 =	vadd.s32 $0x17, v5;
	v63 =	vld [tilespmem:s24+$0x6380]  }
.Ltmp4:
0x295: {  	_ = 	snop;
	(pc) =	sbr.rel @p0 .LBB2_8-.Ltmp4, $4  }
0x296: {  	[tilespmem:v4+s19+$0x0] =	vst.idx.add.f32.msk $0xffff, v3  }
0x297: {  	[tilespmem:v1+s19+$0x0] =	vst.idx.add.f32.msk $0xffff, v10  }
0x298: {  	[tilespmem:v2+s19+$0x0] =	vst.idx.add.f32.msk $0xffff, v6  }
0x299: {  	[tilespmem:v5+s19+$0x0] =	vst.idx.add.f32.msk $0xffff, v63  }
0x29a: {  	s0 =	smul.u32 $0xC0000, s23  }
.Ltmp5:
0x29b: {  	_ = 	snop;
	(pc) =	sbr.rel .LBB2_2-.Ltmp5, $4  }
0x29c: {  	s0 =	sadd.s32 s9, s0  }
0x29d: {  	s0 =	sshrl.u32 s0, $0x3  }
0x29e: {  	s23 =	sadd.s32 $0x1, s23;
	s0 =	sadd.s32 s1, s0  }
0x29f: {  	[tilespmem:s14], [sflag:$0x3] =	stream.strided.gather [hbm4b:s0+s13], $0x3000, s12, s13, $0x38;
	[tilespmem:$0x7580] =	vst v63  }
.LBB2_9:
0x2a0: {  	_ =	sfence.sel $0x180000  }
0x2a1: {  	[bflag:$0x0] =	sbarrier.arrive $0xFFFF  }
0x2a2: {  	_ =	strace $0x90000047  }
0x2a3: {  	s0 =	stileid.u32;
	[bflag:$0x2] =	sbarrier.arrive $0xFFFF  }
0x2a4: {  	p0 =	sne.s32 s0, $0x0;
	s0 =	rddreg [dreg:$0x3]  }
0x2a5: {  	s0 =	sadd.s32 @!p0 $0x100000, s0  }
0x2a6: {  	[sflag:s0] =	ssyncadd.tile.s32 @!p0 $0x1;
	_ =	shalt  }
.Lfunc_end2:
_tile_overlayer_lowered:
.L_overlay_start_2:
0x2a7: {  	(tag) =	ssettag $0x2  }
0x2a8: {  	s0 =	rddreg [dreg:$0x0];
	s2 =	stileid.u32  }
0x2a9: {  	s1 =	rddreg [dreg:$0x1];
	p0 =	sne.s32 s2, $0x0  }
0x2aa: {  	s3 =	rddreg [dreg:$0x2];
	[bflag:$0x3] =	sbarrier.arrive $0xFFFF;
	s2 =	simm.s32 @!p0 $0x1C04  }
0x2ab: {  	[timem:s3], [sflag:s2] =	dma.local @!p0 [hbm:s0], s1  }
0x2ac: {  	s0 =	simm.s32 @!p0 $0x4  }
0x2ad: {  	_ =	swait.ge @!p0 [sflag:s0], s1  }
0x2ae: {  	s1 =	ssub.s32 @!p0 $0x0, s1;
	[sflag:s0] =	ssyncset.done @!p0 $0x0  }
0x2af: {  	[sflag:s0] =	ssyncadd.s32 @!p0 s1  }
0x2b0: {  	[bflag:$0x3] =	sbarrier.arrive $0xFFFF  }
0x2b1: {  	_ =	shalt  }

</sc_bundles>
